<compile_context>
chip_gen: v7x
topology: tpu7x:2x2x1
jax: 0.10.2.dev20260603
libtpu: 0.0.44.dev20260713+nightly
codegen_flags: <defaults>
</compile_context>

<pallas_src>
import jax
import jax.numpy as jnp
from jax import lax
from jax.experimental import pallas as pl
from jax.experimental.pallas import tpu as pltpu
from jax.experimental.pallas import tpu_sc as plsc

HIDDEN = 2048
NUM_EXPERTS = 64
TOP_K = 8
ROUTED_SCALING_FACTOR = 1.5
TOKENS = 8192

NC, NS, L = 2, 16, 16
NW = NC * NS

BLK = 1024
TPW = TOKENS // NW
NG = TPW // L


def _tc_body(hs_ref, w_ref, bias_ref, out_ref):
    lt = lax.dot_general(
        w_ref[...], hs_ref[...],
        dimension_numbers=(((1,), (1,)), ((), ())),
        preferred_element_type=jnp.float32,
    )
    m = jnp.max(lt, axis=0, keepdims=True)
    e = jnp.exp(lt - m)
    scores = e / jnp.sum(e, axis=0, keepdims=True)
    biased = scores + bias_ref[...]
    for j in range(BLK // TPW):
        out_ref[j] = biased[:, j * TPW:(j + 1) * TPW]


def _tc_scores(hs, w, bias):
    grid = TOKENS // BLK
    return pl.pallas_call(
        _tc_body,
        grid=(grid,),
        in_specs=[
            pl.BlockSpec((BLK, HIDDEN), lambda i: (i, 0)),
            pl.BlockSpec((NUM_EXPERTS, HIDDEN), lambda i: (0, 0)),
            pl.BlockSpec((NUM_EXPERTS, 1), lambda i: (0, 0)),
        ],
        out_specs=pl.BlockSpec((BLK // TPW, NUM_EXPERTS, TPW),
                               lambda i: (i, 0, 0)),
        out_shape=jax.ShapeDtypeStruct((NW, NUM_EXPERTS, TPW), jnp.float32),
    )(hs, w, bias)


def _sc_body(bt_hbm, bias_hbm, idx_hbm, w_hbm, bt_v, bias_v, idx_v, w_v):
    wid = lax.axis_index("s") * NC + lax.axis_index("c")
    pltpu.sync_copy(bt_hbm.at[wid], bt_v)
    pltpu.sync_copy(bias_hbm, bias_v)
    neg_inf = jnp.full((L,), -jnp.inf, jnp.float32)
    zero_i = jnp.zeros((L,), jnp.int32)
    bias_regs = [bias_v[pl.ds(k * L, L)] for k in range(NUM_EXPERTS // L)]

    @plsc.parallel_loop(0, NG, unroll=2)
    def group_body(g):
        col0 = g * L

        def expert_body(e, carry):
            rs = list(carry[:TOP_K])
            ixs = list(carry[TOP_K:])
            v = bt_v[e, pl.ds(col0, L)]
            iv = jnp.broadcast_to(e.astype(jnp.int32), (L,))
            for j in range(TOP_K):
                p = v > rs[j]
                rs[j], v = jnp.where(p, v, rs[j]), jnp.where(p, rs[j], v)
                ixs[j], iv = jnp.where(p, iv, ixs[j]), jnp.where(p, ixs[j], iv)
            return tuple(rs) + tuple(ixs)

        carry = tuple([neg_inf] * TOP_K) + tuple([zero_i] * TOP_K)
        carry = lax.fori_loop(0, NUM_EXPERTS, expert_body, carry)
        rs = carry[:TOP_K]
        ixs = carry[TOP_K:]
        for j in range(TOP_K):
            ix = ixs[j]
            lo = ix & (L - 1)
            hi = ix >> 4
            b = bias_regs[0].at[lo].get(mode="promise_in_bounds")
            for k in range(1, NUM_EXPERTS // L):
                gk = bias_regs[k].at[lo].get(mode="promise_in_bounds")
                b = jnp.where(hi == k, gk, b)
            wj = (rs[j] - b) * ROUTED_SCALING_FACTOR
            idx_v[j, pl.ds(col0, L)] = ix
            w_v[j, pl.ds(col0, L)] = wj
    pltpu.sync_copy(idx_v, idx_hbm.at[:, pl.ds(wid * TPW, TPW)])
    pltpu.sync_copy(w_v, w_hbm.at[:, pl.ds(wid * TPW, TPW)])


def _sc_topk(bt, bias):
    mesh = plsc.VectorSubcoreMesh(core_axis_name="c", subcore_axis_name="s")
    return pl.kernel(
        _sc_body,
        out_type=[
            jax.ShapeDtypeStruct((TOP_K, TOKENS), jnp.int32),
            jax.ShapeDtypeStruct((TOP_K, TOKENS), jnp.float32),
        ],
        mesh=mesh,
        scratch_types=[
            pltpu.VMEM((NUM_EXPERTS, TPW), jnp.float32),
            pltpu.VMEM((NUM_EXPERTS,), jnp.float32),
            pltpu.VMEM((TOP_K, TPW), jnp.int32),
            pltpu.VMEM((TOP_K, TPW), jnp.float32),
        ],
    )(bt, bias)


def kernel(hidden_states, classifier_weight, e_score_correction_bias):
    hs = hidden_states.reshape(-1, HIDDEN).astype(jnp.float32)
    bias_col = e_score_correction_bias.reshape(NUM_EXPERTS, 1)
    bt = _tc_scores(hs, classifier_weight, bias_col)
    idx_rm, w_rm = _sc_topk(bt, e_score_correction_bias)
    return idx_rm.T, w_rm.T

# --- scband reference (transcript-rebuilt; emitter-appended) ---
"""Pipeline reference for scband-longcat-flash-topk-router-29300266893621 (READ-ONLY COPY).

The authoritative reference and input builder live on the scoring server;
editing this copy changes nothing except your own understanding.
"""

import jax, jax.numpy as jnp
import numpy as np

HIDDEN = 2048
NUM_EXPERTS = 64
TOP_K = 8
ROUTED_SCALING_FACTOR = 1.5


def setup_inputs(seed: int = 0) -> dict:
    key = jax.random.key(seed)
    k1, k2, k3 = jax.random.split(key, 3)
    hidden_states = jax.random.normal(k1, (8192, HIDDEN), dtype=jnp.float32)
    classifier_weight = jax.random.normal(k2, (NUM_EXPERTS, HIDDEN), dtype=jnp.float32) * 0.02
    e_score_correction_bias = jax.random.normal(k3, (NUM_EXPERTS,), dtype=jnp.float32) * 0.1
    return {
        "hidden_states": hidden_states,
        "classifier_weight": classifier_weight,
        "e_score_correction_bias": e_score_correction_bias,
    }


def reference(hidden_states, classifier_weight, e_score_correction_bias):
    # hidden_states.view(-1, hidden_size); router in float32
    hs = hidden_states.reshape(-1, HIDDEN).astype(jnp.float32)
    # F.linear(hs, classifier.weight, None)
    router_logits = hs @ classifier_weight.T
    # npu_moe_gating_top_k with norm_type=0 (softmax), renorm=0 (no top-k renorm),
    # bias added only for expert selection, weights taken from un-biased scores,
    # scaled by routed_scaling_factor.
    scores = jax.nn.softmax(router_logits, axis=-1)
    scores_for_choice = scores + e_score_correction_bias[None, :]
    _, topk_indices = jax.lax.top_k(scores_for_choice, TOP_K)
    topk_weights = jnp.take_along_axis(scores, topk_indices, axis=-1)
    topk_weights = topk_weights * ROUTED_SCALING_FACTOR
    return topk_indices.astype(jnp.int32), topk_weights

if __name__ == "__main__":
    import jax
    _d = setup_inputs()
    print(jax.jit(kernel)(*tuple(_d.values())))

</pallas_src>

<mosaic_0001>
#map = affine_map<(d0, d1) -> (0, 0, 0)>
#map1 = affine_map<(d0, d1) -> (0)>
#map2 = affine_map<(d0, d1) -> (0, 0)>
module attributes {stable_mosaic.version = 14 : i64} {
  func.func @_sc_body(%arg0: i32, %arg1: i32, %arg2: memref<32x64x256xf32, #tpu.memory_space<hbm>>, %arg3: memref<64xf32, #tpu.memory_space<hbm>>, %arg4: memref<8x8192xi32, #tpu.memory_space<hbm>>, %arg5: memref<8x8192xf32, #tpu.memory_space<hbm>>, %arg6: memref<64x256xf32, #tpu.memory_space<vmem>>, %arg7: memref<64xf32, #tpu.memory_space<vmem>>, %arg8: memref<8x256xi32, #tpu.memory_space<vmem>>, %arg9: memref<8x256xf32, #tpu.memory_space<vmem>>) attributes {dimension_semantics = [#tpu.dimension_semantics<core_parallel>, #tpu.dimension_semantics<subcore_parallel>], iteration_bounds = array<i64: 2, 16>, scalar_prefetch = 0 : i64, scratch_operands = 4 : i64, tpu.core_type = #tpu.core_type<sc_vector_subcore>, window_params = [{transform_indices = #map}, {transform_indices = #map1}, {transform_indices = #map2}, {transform_indices = #map2}]} {
    %mul3A = arith.constant 2 : i32
    %mul3A_0 = arith.muli %arg1, %mul3A : i32
    %add3A = arith.addi %mul3A_0, %arg0 : i32
    "tpu.region"() ({
      %run_scoped3A = tpu.sem_alloc : memref<!tpu.dma_semaphore, #tpu.memory_space<semaphore_mem>>
      %dma_start3A = arith.constant 0 : i32
      %dma_start3A_21 = arith.constant 0 : i32
      %dma_start3A_22 = tpu.memref_slice %arg2[%add3A, %dma_start3A, %dma_start3A_21] : memref<32x64x256xf32, #tpu.memory_space<hbm>> -> memref<1x64x256xf32, #tpu.memory_space<hbm>>
      %dma_start3A_23 = tpu.memref_squeeze %dma_start3A_22 : memref<1x64x256xf32, #tpu.memory_space<hbm>> -> memref<64x256xf32, #tpu.memory_space<hbm>>
      %dma_start3A_24 = arith.constant 0 : i32
      %dma_start3A_25 = arith.constant 0 : i32
      %dma_start3A_26 = tpu.memref_slice %arg2[%add3A, %dma_start3A_24, %dma_start3A_25] : memref<32x64x256xf32, #tpu.memory_space<hbm>> -> memref<1x64x256xf32, #tpu.memory_space<hbm>>
      %dma_start3A_27 = tpu.memref_squeeze %dma_start3A_26 : memref<1x64x256xf32, #tpu.memory_space<hbm>> -> memref<64x256xf32, #tpu.memory_space<hbm>>
      tpu.enqueue_dma source(%dma_start3A_27 : memref<64x256xf32, #tpu.memory_space<hbm>>) target(%arg6 : memref<64x256xf32, #tpu.memory_space<vmem>>) target_semaphore(%run_scoped3A : memref<!tpu.dma_semaphore, #tpu.memory_space<semaphore_mem>>)
      %dma_wait3A = arith.constant 0 : i32
      %dma_wait3A_28 = arith.constant 0 : i32
      %dma_wait3A_29 = tpu.memref_slice %arg2[%add3A, %dma_wait3A, %dma_wait3A_28] : memref<32x64x256xf32, #tpu.memory_space<hbm>> -> memref<1x64x256xf32, #tpu.memory_space<hbm>>
      %dma_wait3A_30 = tpu.memref_squeeze %dma_wait3A_29 : memref<1x64x256xf32, #tpu.memory_space<hbm>> -> memref<64x256xf32, #tpu.memory_space<hbm>>
      %dma_wait3A_31 = arith.constant 0 : i32
      %dma_wait3A_32 = arith.constant 0 : i32
      %dma_wait3A_33 = tpu.memref_slice %arg2[%add3A, %dma_wait3A_31, %dma_wait3A_32] : memref<32x64x256xf32, #tpu.memory_space<hbm>> -> memref<1x64x256xf32, #tpu.memory_space<hbm>>
      %dma_wait3A_34 = tpu.memref_squeeze %dma_wait3A_33 : memref<1x64x256xf32, #tpu.memory_space<hbm>> -> memref<64x256xf32, #tpu.memory_space<hbm>>
      tpu.wait_dma2 semaphore(%run_scoped3A : memref<!tpu.dma_semaphore, #tpu.memory_space<semaphore_mem>>) src(%dma_wait3A_34 : memref<64x256xf32, #tpu.memory_space<hbm>>) dst(%arg6 : memref<64x256xf32, #tpu.memory_space<vmem>>)
      tpu.yield
    }) : () -> ()
    "tpu.region"() ({
      %run_scoped3A = tpu.sem_alloc : memref<!tpu.dma_semaphore, #tpu.memory_space<semaphore_mem>>
      tpu.enqueue_dma source(%arg3 : memref<64xf32, #tpu.memory_space<hbm>>) target(%arg7 : memref<64xf32, #tpu.memory_space<vmem>>) target_semaphore(%run_scoped3A : memref<!tpu.dma_semaphore, #tpu.memory_space<semaphore_mem>>)
      tpu.wait_dma2 semaphore(%run_scoped3A : memref<!tpu.dma_semaphore, #tpu.memory_space<semaphore_mem>>) src(%arg3 : memref<64xf32, #tpu.memory_space<hbm>>) dst(%arg7 : memref<64xf32, #tpu.memory_space<vmem>>)
      tpu.yield
    }) : () -> ()
    %broadcast_in_dim3A = arith.constant 0xFF800000 : f32
    %broadcast_in_dim3A_1 = vector.broadcast %broadcast_in_dim3A : f32 to vector<16xf32>
    %broadcast_in_dim3A_2 = arith.constant 0 : i32
    %broadcast_in_dim3A_3 = vector.broadcast %broadcast_in_dim3A_2 : i32 to vector<16xi32>
    %get3A = arith.constant 0 : index
    %get3A_4 = tpu.vector_load %arg7[%get3A] {strides = array<i32>} : memref<64xf32, #tpu.memory_space<vmem>>, vector<16xf32>,
    %get3A_5 = vector.shape_cast %get3A_4 : vector<16xf32> to vector<16xf32>
    %get3A_6 = arith.constant 16 : index
    %get3A_7 = tpu.vector_load %arg7[%get3A_6] {strides = array<i32>} : memref<64xf32, #tpu.memory_space<vmem>>, vector<16xf32>,
    %get3A_8 = vector.shape_cast %get3A_7 : vector<16xf32> to vector<16xf32>
    %get3A_9 = arith.constant 32 : index
    %get3A_10 = tpu.vector_load %arg7[%get3A_9] {strides = array<i32>} : memref<64xf32, #tpu.memory_space<vmem>>, vector<16xf32>,
    %get3A_11 = vector.shape_cast %get3A_10 : vector<16xf32> to vector<16xf32>
    %get3A_12 = arith.constant 48 : index
    %get3A_13 = tpu.vector_load %arg7[%get3A_12] {strides = array<i32>} : memref<64xf32, #tpu.memory_space<vmem>>, vector<16xf32>,
    %get3A_14 = vector.shape_cast %get3A_13 : vector<16xf32> to vector<16xf32>
    %parallel_loop3A = arith.constant 0 : i32
    %parallel_loop3A_15 = arith.constant 16 : i32
    %parallel_loop3A_16 = arith.constant 1 : i32
    scf.for %parallel_loop3A_21 = %parallel_loop3A to %parallel_loop3A_15 step %parallel_loop3A_16  : i32 {
      %parallel_loop3A_22 = arith.constant 16 : i32
      %parallel_loop3A_23 = arith.muli %parallel_loop3A_21, %parallel_loop3A_22 : i32
      %parallel_loop3A_24 = arith.constant 0 : i32
      %parallel_loop3A_25 = arith.constant 64 : i32
      %parallel_loop3A_26 = arith.addi %parallel_loop3A_24, %parallel_loop3A_25 : i32
      %parallel_loop3A_27 = arith.constant 1 : i32
      %parallel_loop3A_28:16 = scf.for %scan3A = %parallel_loop3A_24 to %parallel_loop3A_26 step %parallel_loop3A_27 iter_args(%scan3A_622 = %broadcast_in_dim3A_1, %scan3A_623 = %broadcast_in_dim3A_1, %scan3A_624 = %broadcast_in_dim3A_1, %scan3A_625 = %broadcast_in_dim3A_1, %scan3A_626 = %broadcast_in_dim3A_1, %scan3A_627 = %broadcast_in_dim3A_1, %scan3A_628 = %broadcast_in_dim3A_1, %scan3A_629 = %broadcast_in_dim3A_1, %scan3A_630 = %broadcast_in_dim3A_3, %scan3A_631 = %broadcast_in_dim3A_3, %scan3A_632 = %broadcast_in_dim3A_3, %scan3A_633 = %broadcast_in_dim3A_3, %scan3A_634 = %broadcast_in_dim3A_3, %scan3A_635 = %broadcast_in_dim3A_3, %scan3A_636 = %broadcast_in_dim3A_3, %scan3A_637 = %broadcast_in_dim3A_3) -> (vector<16xf32>, vector<16xf32>, vector<16xf32>, vector<16xf32>, vector<16xf32>, vector<16xf32>, vector<16xf32>, vector<16xf32>, vector<16xi32>, vector<16xi32>, vector<16xi32>, vector<16xi32>, vector<16xi32>, vector<16xi32>, vector<16xi32>, vector<16xi32>)  : i32 {
        %parallel_loop3A_638 = arith.index_cast %scan3A : i32 to index
        %parallel_loop3A_639 = arith.index_cast %parallel_loop3A_23 : i32 to index
        %parallel_loop3A_640 = tpu.vector_load %arg6[%parallel_loop3A_638, %parallel_loop3A_639] {strides = array<i32>} : memref<64x256xf32, #tpu.memory_space<vmem>>, vector<1x16xf32>,
        %parallel_loop3A_641 = vector.shape_cast %parallel_loop3A_640 : vector<1x16xf32> to vector<16xf32>
        %parallel_loop3A_642 = vector.broadcast %scan3A : i32 to vector<16xi32>
        %parallel_loop3A_643 = arith.cmpf ogt, %parallel_loop3A_641, %scan3A_622 : vector<16xf32>
        %parallel_loop3A_644 = arith.select %parallel_loop3A_643, %parallel_loop3A_641, %scan3A_622 : vector<16xi1>, vector<16xf32>
        %parallel_loop3A_645 = arith.select %parallel_loop3A_643, %scan3A_622, %parallel_loop3A_641 : vector<16xi1>, vector<16xf32>
        %parallel_loop3A_646 = arith.select %parallel_loop3A_643, %parallel_loop3A_642, %scan3A_630 : vector<16xi1>, vector<16xi32>
        %parallel_loop3A_647 = arith.select %parallel_loop3A_643, %scan3A_630, %parallel_loop3A_642 : vector<16xi1>, vector<16xi32>
        %parallel_loop3A_648 = arith.cmpf ogt, %parallel_loop3A_645, %scan3A_623 : vector<16xf32>
        %parallel_loop3A_649 = arith.select %parallel_loop3A_648, %parallel_loop3A_645, %scan3A_623 : vector<16xi1>, vector<16xf32>
        %parallel_loop3A_650 = arith.select %parallel_loop3A_648, %scan3A_623, %parallel_loop3A_645 : vector<16xi1>, vector<16xf32>
        %parallel_loop3A_651 = arith.select %parallel_loop3A_648, %parallel_loop3A_647, %scan3A_631 : vector<16xi1>, vector<16xi32>
        %parallel_loop3A_652 = arith.select %parallel_loop3A_648, %scan3A_631, %parallel_loop3A_647 : vector<16xi1>, vector<16xi32>
        %parallel_loop3A_653 = arith.cmpf ogt, %parallel_loop3A_650, %scan3A_624 : vector<16xf32>
        %parallel_loop3A_654 = arith.select %parallel_loop3A_653, %parallel_loop3A_650, %scan3A_624 : vector<16xi1>, vector<16xf32>
        %parallel_loop3A_655 = arith.select %parallel_loop3A_653, %scan3A_624, %parallel_loop3A_650 : vector<16xi1>, vector<16xf32>
        %parallel_loop3A_656 = arith.select %parallel_loop3A_653, %parallel_loop3A_652, %scan3A_632 : vector<16xi1>, vector<16xi32>
        %parallel_loop3A_657 = arith.select %parallel_loop3A_653, %scan3A_632, %parallel_loop3A_652 : vector<16xi1>, vector<16xi32>
        %parallel_loop3A_658 = arith.cmpf ogt, %parallel_loop3A_655, %scan3A_625 : vector<16xf32>
        %parallel_loop3A_659 = arith.select %parallel_loop3A_658, %parallel_loop3A_655, %scan3A_625 : vector<16xi1>, vector<16xf32>
        %parallel_loop3A_660 = arith.select %parallel_loop3A_658, %scan3A_625, %parallel_loop3A_655 : vector<16xi1>, vector<16xf32>
        %parallel_loop3A_661 = arith.select %parallel_loop3A_658, %parallel_loop3A_657, %scan3A_633 : vector<16xi1>, vector<16xi32>
        %parallel_loop3A_662 = arith.select %parallel_loop3A_658, %scan3A_633, %parallel_loop3A_657 : vector<16xi1>, vector<16xi32>
        %parallel_loop3A_663 = arith.cmpf ogt, %parallel_loop3A_660, %scan3A_626 : vector<16xf32>
        %parallel_loop3A_664 = arith.select %parallel_loop3A_663, %parallel_loop3A_660, %scan3A_626 : vector<16xi1>, vector<16xf32>
        %parallel_loop3A_665 = arith.select %parallel_loop3A_663, %scan3A_626, %parallel_loop3A_660 : vector<16xi1>, vector<16xf32>
        %parallel_loop3A_666 = arith.select %parallel_loop3A_663, %parallel_loop3A_662, %scan3A_634 : vector<16xi1>, vector<16xi32>
        %parallel_loop3A_667 = arith.select %parallel_loop3A_663, %scan3A_634, %parallel_loop3A_662 : vector<16xi1>, vector<16xi32>
        %parallel_loop3A_668 = arith.cmpf ogt, %parallel_loop3A_665, %scan3A_627 : vector<16xf32>
        %parallel_loop3A_669 = arith.select %parallel_loop3A_668, %parallel_loop3A_665, %scan3A_627 : vector<16xi1>, vector<16xf32>
        %parallel_loop3A_670 = arith.select %parallel_loop3A_668, %scan3A_627, %parallel_loop3A_665 : vector<16xi1>, vector<16xf32>
        %parallel_loop3A_671 = arith.select %parallel_loop3A_668, %parallel_loop3A_667, %scan3A_635 : vector<16xi1>, vector<16xi32>
        %parallel_loop3A_672 = arith.select %parallel_loop3A_668, %scan3A_635, %parallel_loop3A_667 : vector<16xi1>, vector<16xi32>
        %parallel_loop3A_673 = arith.cmpf ogt, %parallel_loop3A_670, %scan3A_628 : vector<16xf32>
        %parallel_loop3A_674 = arith.select %parallel_loop3A_673, %parallel_loop3A_670, %scan3A_628 : vector<16xi1>, vector<16xf32>
        %parallel_loop3A_675 = arith.select %parallel_loop3A_673, %scan3A_628, %parallel_loop3A_670 : vector<16xi1>, vector<16xf32>
        %parallel_loop3A_676 = arith.select %parallel_loop3A_673, %parallel_loop3A_672, %scan3A_636 : vector<16xi1>, vector<16xi32>
        %parallel_loop3A_677 = arith.select %parallel_loop3A_673, %scan3A_636, %parallel_loop3A_672 : vector<16xi1>, vector<16xi32>
        %parallel_loop3A_678 = arith.cmpf ogt, %parallel_loop3A_675, %scan3A_629 : vector<16xf32>
        %parallel_loop3A_679 = arith.select %parallel_loop3A_678, %parallel_loop3A_675, %scan3A_629 : vector<16xi1>, vector<16xf32>
        %parallel_loop3A_680 = arith.select %parallel_loop3A_678, %scan3A_629, %parallel_loop3A_675 : vector<16xi1>, vector<16xf32>
        %parallel_loop3A_681 = arith.select %parallel_loop3A_678, %parallel_loop3A_677, %scan3A_637 : vector<16xi1>, vector<16xi32>
        %parallel_loop3A_682 = arith.select %parallel_loop3A_678, %scan3A_637, %parallel_loop3A_677 : vector<16xi1>, vector<16xi32>
        scf.yield %parallel_loop3A_644, %parallel_loop3A_649, %parallel_loop3A_654, %parallel_loop3A_659, %parallel_loop3A_664, %parallel_loop3A_669, %parallel_loop3A_674, %parallel_loop3A_679, %parallel_loop3A_646, %parallel_loop3A_651, %parallel_loop3A_656, %parallel_loop3A_661, %parallel_loop3A_666, %parallel_loop3A_671, %parallel_loop3A_676, %parallel_loop3A_681 : vector<16xf32>, vector<16xf32>, vector<16xf32>, vector<16xf32>, vector<16xf32>, vector<16xf32>, vector<16xf32>, vector<16xf32>, vector<16xi32>, vector<16xi32>, vector<16xi32>, vector<16xi32>, vector<16xi32>, vector<16xi32>, vector<16xi32>, vector<16xi32>
      }
      %parallel_loop3A_29 = arith.constant 64 : i32
      %parallel_loop3A_30 = arith.constant 15 : i32
      %parallel_loop3A_31 = vector.broadcast %parallel_loop3A_30 : i32 to vector<16xi32>
      %parallel_loop3A_32 = arith.andi %parallel_loop3A_28#8, %parallel_loop3A_31 : vector<16xi32>
      %parallel_loop3A_33 = arith.constant 4 : i32
      %parallel_loop3A_34 = vector.broadcast %parallel_loop3A_33 : i32 to vector<16xi32>
      %parallel_loop3A_35 = arith.shrsi %parallel_loop3A_28#8, %parallel_loop3A_34 : vector<16xi32>
      %parallel_loop3A_36 = arith.constant 0 : i32
      %parallel_loop3A_37 = vector.broadcast %parallel_loop3A_36 : i32 to vector<16xi32>
      %parallel_loop3A_38 = arith.cmpi slt, %parallel_loop3A_32, %parallel_loop3A_37 : vector<16xi32>
      %parallel_loop3A_39 = arith.constant 16 : i32
      %parallel_loop3A_40 = vector.broadcast %parallel_loop3A_39 : i32 to vector<16xi32>
      %parallel_loop3A_41 = arith.addi %parallel_loop3A_32, %parallel_loop3A_40 : vector<16xi32>
      %parallel_loop3A_42 = arith.select %parallel_loop3A_38, %parallel_loop3A_41, %parallel_loop3A_32 : vector<16xi1>, vector<16xi32>
      %parallel_loop3A_43 = vector.shape_cast %parallel_loop3A_42 : vector<16xi32> to vector<16x1xi32>
      %parallel_loop3A_44 = vector.shape_cast %parallel_loop3A_43 : vector<16x1xi32> to vector<16xi32>
      %parallel_loop3A_45 = tpu.dynamic_gather %get3A_5[%parallel_loop3A_44] in [0] : vector<16xf32>, vector<16xi32> -> vector<16xf32>
      %parallel_loop3A_46 = arith.constant 0 : i32
      %parallel_loop3A_47 = vector.broadcast %parallel_loop3A_46 : i32 to vector<16xi32>
      %parallel_loop3A_48 = arith.cmpi slt, %parallel_loop3A_32, %parallel_loop3A_47 : vector<16xi32>
      %parallel_loop3A_49 = arith.constant 16 : i32
      %parallel_loop3A_50 = vector.broadcast %parallel_loop3A_49 : i32 to vector<16xi32>
      %parallel_loop3A_51 = arith.addi %parallel_loop3A_32, %parallel_loop3A_50 : vector<16xi32>
      %parallel_loop3A_52 = arith.select %parallel_loop3A_48, %parallel_loop3A_51, %parallel_loop3A_32 : vector<16xi1>, vector<16xi32>
      %parallel_loop3A_53 = vector.shape_cast %parallel_loop3A_52 : vector<16xi32> to vector<16x1xi32>
      %parallel_loop3A_54 = vector.shape_cast %parallel_loop3A_53 : vector<16x1xi32> to vector<16xi32>
      %parallel_loop3A_55 = tpu.dynamic_gather %get3A_8[%parallel_loop3A_54] in [0] : vector<16xf32>, vector<16xi32> -> vector<16xf32>
      %parallel_loop3A_56 = arith.constant 1 : i32
      %parallel_loop3A_57 = vector.broadcast %parallel_loop3A_56 : i32 to vector<16xi32>
      %parallel_loop3A_58 = arith.cmpi eq, %parallel_loop3A_35, %parallel_loop3A_57 : vector<16xi32>
      %parallel_loop3A_59 = arith.select %parallel_loop3A_58, %parallel_loop3A_55, %parallel_loop3A_45 : vector<16xi1>, vector<16xf32>
      %parallel_loop3A_60 = arith.constant 0 : i32
      %parallel_loop3A_61 = vector.broadcast %parallel_loop3A_60 : i32 to vector<16xi32>
      %parallel_loop3A_62 = arith.cmpi slt, %parallel_loop3A_32, %parallel_loop3A_61 : vector<16xi32>
      %parallel_loop3A_63 = arith.constant 16 : i32
      %parallel_loop3A_64 = vector.broadcast %parallel_loop3A_63 : i32 to vector<16xi32>
      %parallel_loop3A_65 = arith.addi %parallel_loop3A_32, %parallel_loop3A_64 : vector<16xi32>
      %parallel_loop3A_66 = arith.select %parallel_loop3A_62, %parallel_loop3A_65, %parallel_loop3A_32 : vector<16xi1>, vector<16xi32>
      %parallel_loop3A_67 = vector.shape_cast %parallel_loop3A_66 : vector<16xi32> to vector<16x1xi32>
      %parallel_loop3A_68 = vector.shape_cast %parallel_loop3A_67 : vector<16x1xi32> to vector<16xi32>
      %parallel_loop3A_69 = tpu.dynamic_gather %get3A_11[%parallel_loop3A_68] in [0] : vector<16xf32>, vector<16xi32> -> vector<16xf32>
      %parallel_loop3A_70 = arith.constant 2 : i32
      %parallel_loop3A_71 = vector.broadcast %parallel_loop3A_70 : i32 to vector<16xi32>
      %parallel_loop3A_72 = arith.cmpi eq, %parallel_loop3A_35, %parallel_loop3A_71 : vector<16xi32>
      %parallel_loop3A_73 = arith.select %parallel_loop3A_72, %parallel_loop3A_69, %parallel_loop3A_59 : vector<16xi1>, vector<16xf32>
      %parallel_loop3A_74 = arith.constant 0 : i32
      %parallel_loop3A_75 = vector.broadcast %parallel_loop3A_74 : i32 to vector<16xi32>
      %parallel_loop3A_76 = arith.cmpi slt, %parallel_loop3A_32, %parallel_loop3A_75 : vector<16xi32>
      %parallel_loop3A_77 = arith.constant 16 : i32
      %parallel_loop3A_78 = vector.broadcast %parallel_loop3A_77 : i32 to vector<16xi32>
      %parallel_loop3A_79 = arith.addi %parallel_loop3A_32, %parallel_loop3A_78 : vector<16xi32>
      %parallel_loop3A_80 = arith.select %parallel_loop3A_76, %parallel_loop3A_79, %parallel_loop3A_32 : vector<16xi1>, vector<16xi32>
      %parallel_loop3A_81 = vector.shape_cast %parallel_loop3A_80 : vector<16xi32> to vector<16x1xi32>
      %parallel_loop3A_82 = vector.shape_cast %parallel_loop3A_81 : vector<16x1xi32> to vector<16xi32>
      %parallel_loop3A_83 = tpu.dynamic_gather %get3A_14[%parallel_loop3A_82] in [0] : vector<16xf32>, vector<16xi32> -> vector<16xf32>
      %parallel_loop3A_84 = arith.constant 3 : i32
      %parallel_loop3A_85 = vector.broadcast %parallel_loop3A_84 : i32 to vector<16xi32>
      %parallel_loop3A_86 = arith.cmpi eq, %parallel_loop3A_35, %parallel_loop3A_85 : vector<16xi32>
      %parallel_loop3A_87 = arith.select %parallel_loop3A_86, %parallel_loop3A_83, %parallel_loop3A_73 : vector<16xi1>, vector<16xf32>
      %parallel_loop3A_88 = arith.subf %parallel_loop3A_28#0, %parallel_loop3A_87 : vector<16xf32>
      %parallel_loop3A_89 = arith.constant 1.500000e+00 : f32
      %parallel_loop3A_90 = vector.broadcast %parallel_loop3A_89 : f32 to vector<16xf32>
      %parallel_loop3A_91 = arith.mulf %parallel_loop3A_88, %parallel_loop3A_90 : vector<16xf32>
      %parallel_loop3A_92 = arith.constant 0 : i32
      %parallel_loop3A_93 = arith.index_cast %parallel_loop3A_92 : i32 to index
      %parallel_loop3A_94 = arith.index_cast %parallel_loop3A_23 : i32 to index
      %parallel_loop3A_95 = tpu.vector_load %arg8[%parallel_loop3A_93, %parallel_loop3A_94] {strides = array<i32>} : memref<8x256xi32, #tpu.memory_space<vmem>>, vector<1x16xi32>,
      %parallel_loop3A_96 = vector.shape_cast %parallel_loop3A_95 : vector<1x16xi32> to vector<16xi32>
      %parallel_loop3A_97 = vector.shape_cast %parallel_loop3A_28#8 : vector<16xi32> to vector<1x16xi32>
      tpu.vector_store %arg8[%parallel_loop3A_93, %parallel_loop3A_94], %parallel_loop3A_97 {strides = array<i32>} : memref<8x256xi32, #tpu.memory_space<vmem>>, vector<1x16xi32>,
      %parallel_loop3A_98 = arith.constant 0 : i32
      %parallel_loop3A_99 = arith.index_cast %parallel_loop3A_98 : i32 to index
      %parallel_loop3A_100 = arith.index_cast %parallel_loop3A_23 : i32 to index
      %parallel_loop3A_101 = tpu.vector_load %arg9[%parallel_loop3A_99, %parallel_loop3A_100] {strides = array<i32>} : memref<8x256xf32, #tpu.memory_space<vmem>>, vector<1x16xf32>,
      %parallel_loop3A_102 = vector.shape_cast %parallel_loop3A_101 : vector<1x16xf32> to vector<16xf32>
      %parallel_loop3A_103 = vector.shape_cast %parallel_loop3A_91 : vector<16xf32> to vector<1x16xf32>
      tpu.vector_store %arg9[%parallel_loop3A_99, %parallel_loop3A_100], %parallel_loop3A_103 {strides = array<i32>} : memref<8x256xf32, #tpu.memory_space<vmem>>, vector<1x16xf32>,
      %parallel_loop3A_104 = arith.constant 15 : i32
      %parallel_loop3A_105 = vector.broadcast %parallel_loop3A_104 : i32 to vector<16xi32>
      %parallel_loop3A_106 = arith.andi %parallel_loop3A_28#9, %parallel_loop3A_105 : vector<16xi32>
      %parallel_loop3A_107 = arith.constant 4 : i32
      %parallel_loop3A_108 = vector.broadcast %parallel_loop3A_107 : i32 to vector<16xi32>
      %parallel_loop3A_109 = arith.shrsi %parallel_loop3A_28#9, %parallel_loop3A_108 : vector<16xi32>
      %parallel_loop3A_110 = arith.constant 0 : i32
      %parallel_loop3A_111 = vector.broadcast %parallel_loop3A_110 : i32 to vector<16xi32>
      %parallel_loop3A_112 = arith.cmpi slt, %parallel_loop3A_106, %parallel_loop3A_111 : vector<16xi32>
      %parallel_loop3A_113 = arith.constant 16 : i32
      %parallel_loop3A_114 = vector.broadcast %parallel_loop3A_113 : i32 to vector<16xi32>
      %parallel_loop3A_115 = arith.addi %parallel_loop3A_106, %parallel_loop3A_114 : vector<16xi32>
      %parallel_loop3A_116 = arith.select %parallel_loop3A_112, %parallel_loop3A_115, %parallel_loop3A_106 : vector<16xi1>, vector<16xi32>
      %parallel_loop3A_117 = vector.shape_cast %parallel_loop3A_116 : vector<16xi32> to vector<16x1xi32>
      %parallel_loop3A_118 = vector.shape_cast %parallel_loop3A_117 : vector<16x1xi32> to vector<16xi32>
      %parallel_loop3A_119 = tpu.dynamic_gather %get3A_5[%parallel_loop3A_118] in [0] : vector<16xf32>, vector<16xi32> -> vector<16xf32>
      %parallel_loop3A_120 = arith.constant 0 : i32
      %parallel_loop3A_121 = vector.broadcast %parallel_loop3A_120 : i32 to vector<16xi32>
      %parallel_loop3A_122 = arith.cmpi slt, %parallel_loop3A_106, %parallel_loop3A_121 : vector<16xi32>
      %parallel_loop3A_123 = arith.constant 16 : i32
      %parallel_loop3A_124 = vector.broadcast %parallel_loop3A_123 : i32 to vector<16xi32>
      %parallel_loop3A_125 = arith.addi %parallel_loop3A_106, %parallel_loop3A_124 : vector<16xi32>
      %parallel_loop3A_126 = arith.select %parallel_loop3A_122, %parallel_loop3A_125, %parallel_loop3A_106 : vector<16xi1>, vector<16xi32>
      %parallel_loop3A_127 = vector.shape_cast %parallel_loop3A_126 : vector<16xi32> to vector<16x1xi32>
      %parallel_loop3A_128 = vector.shape_cast %parallel_loop3A_127 : vector<16x1xi32> to vector<16xi32>
      %parallel_loop3A_129 = tpu.dynamic_gather %get3A_8[%parallel_loop3A_128] in [0] : vector<16xf32>, vector<16xi32> -> vector<16xf32>
      %parallel_loop3A_130 = arith.constant 1 : i32
      %parallel_loop3A_131 = vector.broadcast %parallel_loop3A_130 : i32 to vector<16xi32>
      %parallel_loop3A_132 = arith.cmpi eq, %parallel_loop3A_109, %parallel_loop3A_131 : vector<16xi32>
      %parallel_loop3A_133 = arith.select %parallel_loop3A_132, %parallel_loop3A_129, %parallel_loop3A_119 : vector<16xi1>, vector<16xf32>
      %parallel_loop3A_134 = arith.constant 0 : i32
      %parallel_loop3A_135 = vector.broadcast %parallel_loop3A_134 : i32 to vector<16xi32>
      %parallel_loop3A_136 = arith.cmpi slt, %parallel_loop3A_106, %parallel_loop3A_135 : vector<16xi32>
      %parallel_loop3A_137 = arith.constant 16 : i32
      %parallel_loop3A_138 = vector.broadcast %parallel_loop3A_137 : i32 to vector<16xi32>
      %parallel_loop3A_139 = arith.addi %parallel_loop3A_106, %parallel_loop3A_138 : vector<16xi32>
      %parallel_loop3A_140 = arith.select %parallel_loop3A_136, %parallel_loop3A_139, %parallel_loop3A_106 : vector<16xi1>, vector<16xi32>
      %parallel_loop3A_141 = vector.shape_cast %parallel_loop3A_140 : vector<16xi32> to vector<16x1xi32>
      %parallel_loop3A_142 = vector.shape_cast %parallel_loop3A_141 : vector<16x1xi32> to vector<16xi32>
      %parallel_loop3A_143 = tpu.dynamic_gather %get3A_11[%parallel_loop3A_142] in [0] : vector<16xf32>, vector<16xi32> -> vector<16xf32>
      %parallel_loop3A_144 = arith.constant 2 : i32
      %parallel_loop3A_145 = vector.broadcast %parallel_loop3A_144 : i32 to vector<16xi32>
      %parallel_loop3A_146 = arith.cmpi eq, %parallel_loop3A_109, %parallel_loop3A_145 : vector<16xi32>
      %parallel_loop3A_147 = arith.select %parallel_loop3A_146, %parallel_loop3A_143, %parallel_loop3A_133 : vector<16xi1>, vector<16xf32>
      %parallel_loop3A_148 = arith.constant 0 : i32
      %parallel_loop3A_149 = vector.broadcast %parallel_loop3A_148 : i32 to vector<16xi32>
      %parallel_loop3A_150 = arith.cmpi slt, %parallel_loop3A_106, %parallel_loop3A_149 : vector<16xi32>
      %parallel_loop3A_151 = arith.constant 16 : i32
      %parallel_loop3A_152 = vector.broadcast %parallel_loop3A_151 : i32 to vector<16xi32>
      %parallel_loop3A_153 = arith.addi %parallel_loop3A_106, %parallel_loop3A_152 : vector<16xi32>
      %parallel_loop3A_154 = arith.select %parallel_loop3A_150, %parallel_loop3A_153, %parallel_loop3A_106 : vector<16xi1>, vector<16xi32>
      %parallel_loop3A_155 = vector.shape_cast %parallel_loop3A_154 : vector<16xi32> to vector<16x1xi32>
      %parallel_loop3A_156 = vector.shape_cast %parallel_loop3A_155 : vector<16x1xi32> to vector<16xi32>
      %parallel_loop3A_157 = tpu.dynamic_gather %get3A_14[%parallel_loop3A_156] in [0] : vector<16xf32>, vector<16xi32> -> vector<16xf32>
      %parallel_loop3A_158 = arith.constant 3 : i32
      %parallel_loop3A_159 = vector.broadcast %parallel_loop3A_158 : i32 to vector<16xi32>
      %parallel_loop3A_160 = arith.cmpi eq, %parallel_loop3A_109, %parallel_loop3A_159 : vector<16xi32>
      %parallel_loop3A_161 = arith.select %parallel_loop3A_160, %parallel_loop3A_157, %parallel_loop3A_147 : vector<16xi1>, vector<16xf32>
      %parallel_loop3A_162 = arith.subf %parallel_loop3A_28#1, %parallel_loop3A_161 : vector<16xf32>
      %parallel_loop3A_163 = arith.constant 1.500000e+00 : f32
      %parallel_loop3A_164 = vector.broadcast %parallel_loop3A_163 : f32 to vector<16xf32>
      %parallel_loop3A_165 = arith.mulf %parallel_loop3A_162, %parallel_loop3A_164 : vector<16xf32>
      %parallel_loop3A_166 = arith.constant 1 : i32
      %parallel_loop3A_167 = arith.index_cast %parallel_loop3A_166 : i32 to index
      %parallel_loop3A_168 = arith.index_cast %parallel_loop3A_23 : i32 to index
      %parallel_loop3A_169 = tpu.vector_load %arg8[%parallel_loop3A_167, %parallel_loop3A_168] {strides = array<i32>} : memref<8x256xi32, #tpu.memory_space<vmem>>, vector<1x16xi32>,
      %parallel_loop3A_170 = vector.shape_cast %parallel_loop3A_169 : vector<1x16xi32> to vector<16xi32>
      %parallel_loop3A_171 = vector.shape_cast %parallel_loop3A_28#9 : vector<16xi32> to vector<1x16xi32>
      tpu.vector_store %arg8[%parallel_loop3A_167, %parallel_loop3A_168], %parallel_loop3A_171 {strides = array<i32>} : memref<8x256xi32, #tpu.memory_space<vmem>>, vector<1x16xi32>,
      %parallel_loop3A_172 = arith.constant 1 : i32
      %parallel_loop3A_173 = arith.index_cast %parallel_loop3A_172 : i32 to index
      %parallel_loop3A_174 = arith.index_cast %parallel_loop3A_23 : i32 to index
      %parallel_loop3A_175 = tpu.vector_load %arg9[%parallel_loop3A_173, %parallel_loop3A_174] {strides = array<i32>} : memref<8x256xf32, #tpu.memory_space<vmem>>, vector<1x16xf32>,
      %parallel_loop3A_176 = vector.shape_cast %parallel_loop3A_175 : vector<1x16xf32> to vector<16xf32>
      %parallel_loop3A_177 = vector.shape_cast %parallel_loop3A_165 : vector<16xf32> to vector<1x16xf32>
      tpu.vector_store %arg9[%parallel_loop3A_173, %parallel_loop3A_174], %parallel_loop3A_177 {strides = array<i32>} : memref<8x256xf32, #tpu.memory_space<vmem>>, vector<1x16xf32>,
      %parallel_loop3A_178 = arith.constant 15 : i32
      %parallel_loop3A_179 = vector.broadcast %parallel_loop3A_178 : i32 to vector<16xi32>
      %parallel_loop3A_180 = arith.andi %parallel_loop3A_28#10, %parallel_loop3A_179 : vector<16xi32>
      %parallel_loop3A_181 = arith.constant 4 : i32
      %parallel_loop3A_182 = vector.broadcast %parallel_loop3A_181 : i32 to vector<16xi32>
      %parallel_loop3A_183 = arith.shrsi %parallel_loop3A_28#10, %parallel_loop3A_182 : vector<16xi32>
      %parallel_loop3A_184 = arith.constant 0 : i32
      %parallel_loop3A_185 = vector.broadcast %parallel_loop3A_184 : i32 to vector<16xi32>
      %parallel_loop3A_186 = arith.cmpi slt, %parallel_loop3A_180, %parallel_loop3A_185 : vector<16xi32>
      %parallel_loop3A_187 = arith.constant 16 : i32
      %parallel_loop3A_188 = vector.broadcast %parallel_loop3A_187 : i32 to vector<16xi32>
      %parallel_loop3A_189 = arith.addi %parallel_loop3A_180, %parallel_loop3A_188 : vector<16xi32>
      %parallel_loop3A_190 = arith.select %parallel_loop3A_186, %parallel_loop3A_189, %parallel_loop3A_180 : vector<16xi1>, vector<16xi32>
      %parallel_loop3A_191 = vector.shape_cast %parallel_loop3A_190 : vector<16xi32> to vector<16x1xi32>
      %parallel_loop3A_192 = vector.shape_cast %parallel_loop3A_191 : vector<16x1xi32> to vector<16xi32>
      %parallel_loop3A_193 = tpu.dynamic_gather %get3A_5[%parallel_loop3A_192] in [0] : vector<16xf32>, vector<16xi32> -> vector<16xf32>
      %parallel_loop3A_194 = arith.constant 0 : i32
      %parallel_loop3A_195 = vector.broadcast %parallel_loop3A_194 : i32 to vector<16xi32>
      %parallel_loop3A_196 = arith.cmpi slt, %parallel_loop3A_180, %parallel_loop3A_195 : vector<16xi32>
      %parallel_loop3A_197 = arith.constant 16 : i32
      %parallel_loop3A_198 = vector.broadcast %parallel_loop3A_197 : i32 to vector<16xi32>
      %parallel_loop3A_199 = arith.addi %parallel_loop3A_180, %parallel_loop3A_198 : vector<16xi32>
      %parallel_loop3A_200 = arith.select %parallel_loop3A_196, %parallel_loop3A_199, %parallel_loop3A_180 : vector<16xi1>, vector<16xi32>
      %parallel_loop3A_201 = vector.shape_cast %parallel_loop3A_200 : vector<16xi32> to vector<16x1xi32>
      %parallel_loop3A_202 = vector.shape_cast %parallel_loop3A_201 : vector<16x1xi32> to vector<16xi32>
      %parallel_loop3A_203 = tpu.dynamic_gather %get3A_8[%parallel_loop3A_202] in [0] : vector<16xf32>, vector<16xi32> -> vector<16xf32>
      %parallel_loop3A_204 = arith.constant 1 : i32
      %parallel_loop3A_205 = vector.broadcast %parallel_loop3A_204 : i32 to vector<16xi32>
      %parallel_loop3A_206 = arith.cmpi eq, %parallel_loop3A_183, %parallel_loop3A_205 : vector<16xi32>
      %parallel_loop3A_207 = arith.select %parallel_loop3A_206, %parallel_loop3A_203, %parallel_loop3A_193 : vector<16xi1>, vector<16xf32>
      %parallel_loop3A_208 = arith.constant 0 : i32
      %parallel_loop3A_209 = vector.broadcast %parallel_loop3A_208 : i32 to vector<16xi32>
      %parallel_loop3A_210 = arith.cmpi slt, %parallel_loop3A_180, %parallel_loop3A_209 : vector<16xi32>
      %parallel_loop3A_211 = arith.constant 16 : i32
      %parallel_loop3A_212 = vector.broadcast %parallel_loop3A_211 : i32 to vector<16xi32>
      %parallel_loop3A_213 = arith.addi %parallel_loop3A_180, %parallel_loop3A_212 : vector<16xi32>
      %parallel_loop3A_214 = arith.select %parallel_loop3A_210, %parallel_loop3A_213, %parallel_loop3A_180 : vector<16xi1>, vector<16xi32>
      %parallel_loop3A_215 = vector.shape_cast %parallel_loop3A_214 : vector<16xi32> to vector<16x1xi32>
      %parallel_loop3A_216 = vector.shape_cast %parallel_loop3A_215 : vector<16x1xi32> to vector<16xi32>
      %parallel_loop3A_217 = tpu.dynamic_gather %get3A_11[%parallel_loop3A_216] in [0] : vector<16xf32>, vector<16xi32> -> vector<16xf32>
      %parallel_loop3A_218 = arith.constant 2 : i32
      %parallel_loop3A_219 = vector.broadcast %parallel_loop3A_218 : i32 to vector<16xi32>
      %parallel_loop3A_220 = arith.cmpi eq, %parallel_loop3A_183, %parallel_loop3A_219 : vector<16xi32>
      %parallel_loop3A_221 = arith.select %parallel_loop3A_220, %parallel_loop3A_217, %parallel_loop3A_207 : vector<16xi1>, vector<16xf32>
      %parallel_loop3A_222 = arith.constant 0 : i32
      %parallel_loop3A_223 = vector.broadcast %parallel_loop3A_222 : i32 to vector<16xi32>
      %parallel_loop3A_224 = arith.cmpi slt, %parallel_loop3A_180, %parallel_loop3A_223 : vector<16xi32>
      %parallel_loop3A_225 = arith.constant 16 : i32
      %parallel_loop3A_226 = vector.broadcast %parallel_loop3A_225 : i32 to vector<16xi32>
      %parallel_loop3A_227 = arith.addi %parallel_loop3A_180, %parallel_loop3A_226 : vector<16xi32>
      %parallel_loop3A_228 = arith.select %parallel_loop3A_224, %parallel_loop3A_227, %parallel_loop3A_180 : vector<16xi1>, vector<16xi32>
      %parallel_loop3A_229 = vector.shape_cast %parallel_loop3A_228 : vector<16xi32> to vector<16x1xi32>
      %parallel_loop3A_230 = vector.shape_cast %parallel_loop3A_229 : vector<16x1xi32> to vector<16xi32>
      %parallel_loop3A_231 = tpu.dynamic_gather %get3A_14[%parallel_loop3A_230] in [0] : vector<16xf32>, vector<16xi32> -> vector<16xf32>
      %parallel_loop3A_232 = arith.constant 3 : i32
      %parallel_loop3A_233 = vector.broadcast %parallel_loop3A_232 : i32 to vector<16xi32>
      %parallel_loop3A_234 = arith.cmpi eq, %parallel_loop3A_183, %parallel_loop3A_233 : vector<16xi32>
      %parallel_loop3A_235 = arith.select %parallel_loop3A_234, %parallel_loop3A_231, %parallel_loop3A_221 : vector<16xi1>, vector<16xf32>
      %parallel_loop3A_236 = arith.subf %parallel_loop3A_28#2, %parallel_loop3A_235 : vector<16xf32>
      %parallel_loop3A_237 = arith.constant 1.500000e+00 : f32
      %parallel_loop3A_238 = vector.broadcast %parallel_loop3A_237 : f32 to vector<16xf32>
      %parallel_loop3A_239 = arith.mulf %parallel_loop3A_236, %parallel_loop3A_238 : vector<16xf32>
      %parallel_loop3A_240 = arith.constant 2 : i32
      %parallel_loop3A_241 = arith.index_cast %parallel_loop3A_240 : i32 to index
      %parallel_loop3A_242 = arith.index_cast %parallel_loop3A_23 : i32 to index
      %parallel_loop3A_243 = tpu.vector_load %arg8[%parallel_loop3A_241, %parallel_loop3A_242] {strides = array<i32>} : memref<8x256xi32, #tpu.memory_space<vmem>>, vector<1x16xi32>,
      %parallel_loop3A_244 = vector.shape_cast %parallel_loop3A_243 : vector<1x16xi32> to vector<16xi32>
      %parallel_loop3A_245 = vector.shape_cast %parallel_loop3A_28#10 : vector<16xi32> to vector<1x16xi32>
      tpu.vector_store %arg8[%parallel_loop3A_241, %parallel_loop3A_242], %parallel_loop3A_245 {strides = array<i32>} : memref<8x256xi32, #tpu.memory_space<vmem>>, vector<1x16xi32>,
      %parallel_loop3A_246 = arith.constant 2 : i32
      %parallel_loop3A_247 = arith.index_cast %parallel_loop3A_246 : i32 to index
      %parallel_loop3A_248 = arith.index_cast %parallel_loop3A_23 : i32 to index
      %parallel_loop3A_249 = tpu.vector_load %arg9[%parallel_loop3A_247, %parallel_loop3A_248] {strides = array<i32>} : memref<8x256xf32, #tpu.memory_space<vmem>>, vector<1x16xf32>,
      %parallel_loop3A_250 = vector.shape_cast %parallel_loop3A_249 : vector<1x16xf32> to vector<16xf32>
      %parallel_loop3A_251 = vector.shape_cast %parallel_loop3A_239 : vector<16xf32> to vector<1x16xf32>
      tpu.vector_store %arg9[%parallel_loop3A_247, %parallel_loop3A_248], %parallel_loop3A_251 {strides = array<i32>} : memref<8x256xf32, #tpu.memory_space<vmem>>, vector<1x16xf32>,
      %parallel_loop3A_252 = arith.constant 15 : i32
      %parallel_loop3A_253 = vector.broadcast %parallel_loop3A_252 : i32 to vector<16xi32>
      %parallel_loop3A_254 = arith.andi %parallel_loop3A_28#11, %parallel_loop3A_253 : vector<16xi32>
      %parallel_loop3A_255 = arith.constant 4 : i32
      %parallel_loop3A_256 = vector.broadcast %parallel_loop3A_255 : i32 to vector<16xi32>
      %parallel_loop3A_257 = arith.shrsi %parallel_loop3A_28#11, %parallel_loop3A_256 : vector<16xi32>
      %parallel_loop3A_258 = arith.constant 0 : i32
      %parallel_loop3A_259 = vector.broadcast %parallel_loop3A_258 : i32 to vector<16xi32>
      %parallel_loop3A_260 = arith.cmpi slt, %parallel_loop3A_254, %parallel_loop3A_259 : vector<16xi32>
      %parallel_loop3A_261 = arith.constant 16 : i32
      %parallel_loop3A_262 = vector.broadcast %parallel_loop3A_261 : i32 to vector<16xi32>
      %parallel_loop3A_263 = arith.addi %parallel_loop3A_254, %parallel_loop3A_262 : vector<16xi32>
      %parallel_loop3A_264 = arith.select %parallel_loop3A_260, %parallel_loop3A_263, %parallel_loop3A_254 : vector<16xi1>, vector<16xi32>
      %parallel_loop3A_265 = vector.shape_cast %parallel_loop3A_264 : vector<16xi32> to vector<16x1xi32>
      %parallel_loop3A_266 = vector.shape_cast %parallel_loop3A_265 : vector<16x1xi32> to vector<16xi32>
      %parallel_loop3A_267 = tpu.dynamic_gather %get3A_5[%parallel_loop3A_266] in [0] : vector<16xf32>, vector<16xi32> -> vector<16xf32>
      %parallel_loop3A_268 = arith.constant 0 : i32
      %parallel_loop3A_269 = vector.broadcast %parallel_loop3A_268 : i32 to vector<16xi32>
      %parallel_loop3A_270 = arith.cmpi slt, %parallel_loop3A_254, %parallel_loop3A_269 : vector<16xi32>
      %parallel_loop3A_271 = arith.constant 16 : i32
      %parallel_loop3A_272 = vector.broadcast %parallel_loop3A_271 : i32 to vector<16xi32>
      %parallel_loop3A_273 = arith.addi %parallel_loop3A_254, %parallel_loop3A_272 : vector<16xi32>
      %parallel_loop3A_274 = arith.select %parallel_loop3A_270, %parallel_loop3A_273, %parallel_loop3A_254 : vector<16xi1>, vector<16xi32>
      %parallel_loop3A_275 = vector.shape_cast %parallel_loop3A_274 : vector<16xi32> to vector<16x1xi32>
      %parallel_loop3A_276 = vector.shape_cast %parallel_loop3A_275 : vector<16x1xi32> to vector<16xi32>
      %parallel_loop3A_277 = tpu.dynamic_gather %get3A_8[%parallel_loop3A_276] in [0] : vector<16xf32>, vector<16xi32> -> vector<16xf32>
      %parallel_loop3A_278 = arith.constant 1 : i32
      %parallel_loop3A_279 = vector.broadcast %parallel_loop3A_278 : i32 to vector<16xi32>
      %parallel_loop3A_280 = arith.cmpi eq, %parallel_loop3A_257, %parallel_loop3A_279 : vector<16xi32>
      %parallel_loop3A_281 = arith.select %parallel_loop3A_280, %parallel_loop3A_277, %parallel_loop3A_267 : vector<16xi1>, vector<16xf32>
      %parallel_loop3A_282 = arith.constant 0 : i32
      %parallel_loop3A_283 = vector.broadcast %parallel_loop3A_282 : i32 to vector<16xi32>
      %parallel_loop3A_284 = arith.cmpi slt, %parallel_loop3A_254, %parallel_loop3A_283 : vector<16xi32>
      %parallel_loop3A_285 = arith.constant 16 : i32
      %parallel_loop3A_286 = vector.broadcast %parallel_loop3A_285 : i32 to vector<16xi32>
      %parallel_loop3A_287 = arith.addi %parallel_loop3A_254, %parallel_loop3A_286 : vector<16xi32>
      %parallel_loop3A_288 = arith.select %parallel_loop3A_284, %parallel_loop3A_287, %parallel_loop3A_254 : vector<16xi1>, vector<16xi32>
      %parallel_loop3A_289 = vector.shape_cast %parallel_loop3A_288 : vector<16xi32> to vector<16x1xi32>
      %parallel_loop3A_290 = vector.shape_cast %parallel_loop3A_289 : vector<16x1xi32> to vector<16xi32>
      %parallel_loop3A_291 = tpu.dynamic_gather %get3A_11[%parallel_loop3A_290] in [0] : vector<16xf32>, vector<16xi32> -> vector<16xf32>
      %parallel_loop3A_292 = arith.constant 2 : i32
      %parallel_loop3A_293 = vector.broadcast %parallel_loop3A_292 : i32 to vector<16xi32>
      %parallel_loop3A_294 = arith.cmpi eq, %parallel_loop3A_257, %parallel_loop3A_293 : vector<16xi32>
      %parallel_loop3A_295 = arith.select %parallel_loop3A_294, %parallel_loop3A_291, %parallel_loop3A_281 : vector<16xi1>, vector<16xf32>
      %parallel_loop3A_296 = arith.constant 0 : i32
      %parallel_loop3A_297 = vector.broadcast %parallel_loop3A_296 : i32 to vector<16xi32>
      %parallel_loop3A_298 = arith.cmpi slt, %parallel_loop3A_254, %parallel_loop3A_297 : vector<16xi32>
      %parallel_loop3A_299 = arith.constant 16 : i32
      %parallel_loop3A_300 = vector.broadcast %parallel_loop3A_299 : i32 to vector<16xi32>
      %parallel_loop3A_301 = arith.addi %parallel_loop3A_254, %parallel_loop3A_300 : vector<16xi32>
      %parallel_loop3A_302 = arith.select %parallel_loop3A_298, %parallel_loop3A_301, %parallel_loop3A_254 : vector<16xi1>, vector<16xi32>
      %parallel_loop3A_303 = vector.shape_cast %parallel_loop3A_302 : vector<16xi32> to vector<16x1xi32>
      %parallel_loop3A_304 = vector.shape_cast %parallel_loop3A_303 : vector<16x1xi32> to vector<16xi32>
      %parallel_loop3A_305 = tpu.dynamic_gather %get3A_14[%parallel_loop3A_304] in [0] : vector<16xf32>, vector<16xi32> -> vector<16xf32>
      %parallel_loop3A_306 = arith.constant 3 : i32
      %parallel_loop3A_307 = vector.broadcast %parallel_loop3A_306 : i32 to vector<16xi32>
      %parallel_loop3A_308 = arith.cmpi eq, %parallel_loop3A_257, %parallel_loop3A_307 : vector<16xi32>
      %parallel_loop3A_309 = arith.select %parallel_loop3A_308, %parallel_loop3A_305, %parallel_loop3A_295 : vector<16xi1>, vector<16xf32>
      %parallel_loop3A_310 = arith.subf %parallel_loop3A_28#3, %parallel_loop3A_309 : vector<16xf32>
      %parallel_loop3A_311 = arith.constant 1.500000e+00 : f32
      %parallel_loop3A_312 = vector.broadcast %parallel_loop3A_311 : f32 to vector<16xf32>
      %parallel_loop3A_313 = arith.mulf %parallel_loop3A_310, %parallel_loop3A_312 : vector<16xf32>
      %parallel_loop3A_314 = arith.constant 3 : i32
      %parallel_loop3A_315 = arith.index_cast %parallel_loop3A_314 : i32 to index
      %parallel_loop3A_316 = arith.index_cast %parallel_loop3A_23 : i32 to index
      %parallel_loop3A_317 = tpu.vector_load %arg8[%parallel_loop3A_315, %parallel_loop3A_316] {strides = array<i32>} : memref<8x256xi32, #tpu.memory_space<vmem>>, vector<1x16xi32>,
      %parallel_loop3A_318 = vector.shape_cast %parallel_loop3A_317 : vector<1x16xi32> to vector<16xi32>
      %parallel_loop3A_319 = vector.shape_cast %parallel_loop3A_28#11 : vector<16xi32> to vector<1x16xi32>
      tpu.vector_store %arg8[%parallel_loop3A_315, %parallel_loop3A_316], %parallel_loop3A_319 {strides = array<i32>} : memref<8x256xi32, #tpu.memory_space<vmem>>, vector<1x16xi32>,
      %parallel_loop3A_320 = arith.constant 3 : i32
      %parallel_loop3A_321 = arith.index_cast %parallel_loop3A_320 : i32 to index
      %parallel_loop3A_322 = arith.index_cast %parallel_loop3A_23 : i32 to index
      %parallel_loop3A_323 = tpu.vector_load %arg9[%parallel_loop3A_321, %parallel_loop3A_322] {strides = array<i32>} : memref<8x256xf32, #tpu.memory_space<vmem>>, vector<1x16xf32>,
      %parallel_loop3A_324 = vector.shape_cast %parallel_loop3A_323 : vector<1x16xf32> to vector<16xf32>
      %parallel_loop3A_325 = vector.shape_cast %parallel_loop3A_313 : vector<16xf32> to vector<1x16xf32>
      tpu.vector_store %arg9[%parallel_loop3A_321, %parallel_loop3A_322], %parallel_loop3A_325 {strides = array<i32>} : memref<8x256xf32, #tpu.memory_space<vmem>>, vector<1x16xf32>,
      %parallel_loop3A_326 = arith.constant 15 : i32
      %parallel_loop3A_327 = vector.broadcast %parallel_loop3A_326 : i32 to vector<16xi32>
      %parallel_loop3A_328 = arith.andi %parallel_loop3A_28#12, %parallel_loop3A_327 : vector<16xi32>
      %parallel_loop3A_329 = arith.constant 4 : i32
      %parallel_loop3A_330 = vector.broadcast %parallel_loop3A_329 : i32 to vector<16xi32>
      %parallel_loop3A_331 = arith.shrsi %parallel_loop3A_28#12, %parallel_loop3A_330 : vector<16xi32>
      %parallel_loop3A_332 = arith.constant 0 : i32
      %parallel_loop3A_333 = vector.broadcast %parallel_loop3A_332 : i32 to vector<16xi32>
      %parallel_loop3A_334 = arith.cmpi slt, %parallel_loop3A_328, %parallel_loop3A_333 : vector<16xi32>
      %parallel_loop3A_335 = arith.constant 16 : i32
      %parallel_loop3A_336 = vector.broadcast %parallel_loop3A_335 : i32 to vector<16xi32>
      %parallel_loop3A_337 = arith.addi %parallel_loop3A_328, %parallel_loop3A_336 : vector<16xi32>
      %parallel_loop3A_338 = arith.select %parallel_loop3A_334, %parallel_loop3A_337, %parallel_loop3A_328 : vector<16xi1>, vector<16xi32>
      %parallel_loop3A_339 = vector.shape_cast %parallel_loop3A_338 : vector<16xi32> to vector<16x1xi32>
      %parallel_loop3A_340 = vector.shape_cast %parallel_loop3A_339 : vector<16x1xi32> to vector<16xi32>
      %parallel_loop3A_341 = tpu.dynamic_gather %get3A_5[%parallel_loop3A_340] in [0] : vector<16xf32>, vector<16xi32> -> vector<16xf32>
      %parallel_loop3A_342 = arith.constant 0 : i32
      %parallel_loop3A_343 = vector.broadcast %parallel_loop3A_342 : i32 to vector<16xi32>
      %parallel_loop3A_344 = arith.cmpi slt, %parallel_loop3A_328, %parallel_loop3A_343 : vector<16xi32>
      %parallel_loop3A_345 = arith.constant 16 : i32
      %parallel_loop3A_346 = vector.broadcast %parallel_loop3A_345 : i32 to vector<16xi32>
      %parallel_loop3A_347 = arith.addi %parallel_loop3A_328, %parallel_loop3A_346 : vector<16xi32>
      %parallel_loop3A_348 = arith.select %parallel_loop3A_344, %parallel_loop3A_347, %parallel_loop3A_328 : vector<16xi1>, vector<16xi32>
      %parallel_loop3A_349 = vector.shape_cast %parallel_loop3A_348 : vector<16xi32> to vector<16x1xi32>
      %parallel_loop3A_350 = vector.shape_cast %parallel_loop3A_349 : vector<16x1xi32> to vector<16xi32>
      %parallel_loop3A_351 = tpu.dynamic_gather %get3A_8[%parallel_loop3A_350] in [0] : vector<16xf32>, vector<16xi32> -> vector<16xf32>
      %parallel_loop3A_352 = arith.constant 1 : i32
      %parallel_loop3A_353 = vector.broadcast %parallel_loop3A_352 : i32 to vector<16xi32>
      %parallel_loop3A_354 = arith.cmpi eq, %parallel_loop3A_331, %parallel_loop3A_353 : vector<16xi32>
      %parallel_loop3A_355 = arith.select %parallel_loop3A_354, %parallel_loop3A_351, %parallel_loop3A_341 : vector<16xi1>, vector<16xf32>
      %parallel_loop3A_356 = arith.constant 0 : i32
      %parallel_loop3A_357 = vector.broadcast %parallel_loop3A_356 : i32 to vector<16xi32>
      %parallel_loop3A_358 = arith.cmpi slt, %parallel_loop3A_328, %parallel_loop3A_357 : vector<16xi32>
      %parallel_loop3A_359 = arith.constant 16 : i32
      %parallel_loop3A_360 = vector.broadcast %parallel_loop3A_359 : i32 to vector<16xi32>
      %parallel_loop3A_361 = arith.addi %parallel_loop3A_328, %parallel_loop3A_360 : vector<16xi32>
      %parallel_loop3A_362 = arith.select %parallel_loop3A_358, %parallel_loop3A_361, %parallel_loop3A_328 : vector<16xi1>, vector<16xi32>
      %parallel_loop3A_363 = vector.shape_cast %parallel_loop3A_362 : vector<16xi32> to vector<16x1xi32>
      %parallel_loop3A_364 = vector.shape_cast %parallel_loop3A_363 : vector<16x1xi32> to vector<16xi32>
      %parallel_loop3A_365 = tpu.dynamic_gather %get3A_11[%parallel_loop3A_364] in [0] : vector<16xf32>, vector<16xi32> -> vector<16xf32>
      %parallel_loop3A_366 = arith.constant 2 : i32
      %parallel_loop3A_367 = vector.broadcast %parallel_loop3A_366 : i32 to vector<16xi32>
      %parallel_loop3A_368 = arith.cmpi eq, %parallel_loop3A_331, %parallel_loop3A_367 : vector<16xi32>
      %parallel_loop3A_369 = arith.select %parallel_loop3A_368, %parallel_loop3A_365, %parallel_loop3A_355 : vector<16xi1>, vector<16xf32>
      %parallel_loop3A_370 = arith.constant 0 : i32
      %parallel_loop3A_371 = vector.broadcast %parallel_loop3A_370 : i32 to vector<16xi32>
      %parallel_loop3A_372 = arith.cmpi slt, %parallel_loop3A_328, %parallel_loop3A_371 : vector<16xi32>
      %parallel_loop3A_373 = arith.constant 16 : i32
      %parallel_loop3A_374 = vector.broadcast %parallel_loop3A_373 : i32 to vector<16xi32>
      %parallel_loop3A_375 = arith.addi %parallel_loop3A_328, %parallel_loop3A_374 : vector<16xi32>
      %parallel_loop3A_376 = arith.select %parallel_loop3A_372, %parallel_loop3A_375, %parallel_loop3A_328 : vector<16xi1>, vector<16xi32>
      %parallel_loop3A_377 = vector.shape_cast %parallel_loop3A_376 : vector<16xi32> to vector<16x1xi32>
      %parallel_loop3A_378 = vector.shape_cast %parallel_loop3A_377 : vector<16x1xi32> to vector<16xi32>
      %parallel_loop3A_379 = tpu.dynamic_gather %get3A_14[%parallel_loop3A_378] in [0] : vector<16xf32>, vector<16xi32> -> vector<16xf32>
      %parallel_loop3A_380 = arith.constant 3 : i32
      %parallel_loop3A_381 = vector.broadcast %parallel_loop3A_380 : i32 to vector<16xi32>
      %parallel_loop3A_382 = arith.cmpi eq, %parallel_loop3A_331, %parallel_loop3A_381 : vector<16xi32>
      %parallel_loop3A_383 = arith.select %parallel_loop3A_382, %parallel_loop3A_379, %parallel_loop3A_369 : vector<16xi1>, vector<16xf32>
      %parallel_loop3A_384 = arith.subf %parallel_loop3A_28#4, %parallel_loop3A_383 : vector<16xf32>
      %parallel_loop3A_385 = arith.constant 1.500000e+00 : f32
      %parallel_loop3A_386 = vector.broadcast %parallel_loop3A_385 : f32 to vector<16xf32>
      %parallel_loop3A_387 = arith.mulf %parallel_loop3A_384, %parallel_loop3A_386 : vector<16xf32>
      %parallel_loop3A_388 = arith.constant 4 : i32
      %parallel_loop3A_389 = arith.index_cast %parallel_loop3A_388 : i32 to index
      %parallel_loop3A_390 = arith.index_cast %parallel_loop3A_23 : i32 to index
      %parallel_loop3A_391 = tpu.vector_load %arg8[%parallel_loop3A_389, %parallel_loop3A_390] {strides = array<i32>} : memref<8x256xi32, #tpu.memory_space<vmem>>, vector<1x16xi32>,
      %parallel_loop3A_392 = vector.shape_cast %parallel_loop3A_391 : vector<1x16xi32> to vector<16xi32>
      %parallel_loop3A_393 = vector.shape_cast %parallel_loop3A_28#12 : vector<16xi32> to vector<1x16xi32>
      tpu.vector_store %arg8[%parallel_loop3A_389, %parallel_loop3A_390], %parallel_loop3A_393 {strides = array<i32>} : memref<8x256xi32, #tpu.memory_space<vmem>>, vector<1x16xi32>,
      %parallel_loop3A_394 = arith.constant 4 : i32
      %parallel_loop3A_395 = arith.index_cast %parallel_loop3A_394 : i32 to index
      %parallel_loop3A_396 = arith.index_cast %parallel_loop3A_23 : i32 to index
      %parallel_loop3A_397 = tpu.vector_load %arg9[%parallel_loop3A_395, %parallel_loop3A_396] {strides = array<i32>} : memref<8x256xf32, #tpu.memory_space<vmem>>, vector<1x16xf32>,
      %parallel_loop3A_398 = vector.shape_cast %parallel_loop3A_397 : vector<1x16xf32> to vector<16xf32>
      %parallel_loop3A_399 = vector.shape_cast %parallel_loop3A_387 : vector<16xf32> to vector<1x16xf32>
      tpu.vector_store %arg9[%parallel_loop3A_395, %parallel_loop3A_396], %parallel_loop3A_399 {strides = array<i32>} : memref<8x256xf32, #tpu.memory_space<vmem>>, vector<1x16xf32>,
      %parallel_loop3A_400 = arith.constant 15 : i32
      %parallel_loop3A_401 = vector.broadcast %parallel_loop3A_400 : i32 to vector<16xi32>
      %parallel_loop3A_402 = arith.andi %parallel_loop3A_28#13, %parallel_loop3A_401 : vector<16xi32>
      %parallel_loop3A_403 = arith.constant 4 : i32
      %parallel_loop3A_404 = vector.broadcast %parallel_loop3A_403 : i32 to vector<16xi32>
      %parallel_loop3A_405 = arith.shrsi %parallel_loop3A_28#13, %parallel_loop3A_404 : vector<16xi32>
      %parallel_loop3A_406 = arith.constant 0 : i32
      %parallel_loop3A_407 = vector.broadcast %parallel_loop3A_406 : i32 to vector<16xi32>
      %parallel_loop3A_408 = arith.cmpi slt, %parallel_loop3A_402, %parallel_loop3A_407 : vector<16xi32>
      %parallel_loop3A_409 = arith.constant 16 : i32
      %parallel_loop3A_410 = vector.broadcast %parallel_loop3A_409 : i32 to vector<16xi32>
      %parallel_loop3A_411 = arith.addi %parallel_loop3A_402, %parallel_loop3A_410 : vector<16xi32>
      %parallel_loop3A_412 = arith.select %parallel_loop3A_408, %parallel_loop3A_411, %parallel_loop3A_402 : vector<16xi1>, vector<16xi32>
      %parallel_loop3A_413 = vector.shape_cast %parallel_loop3A_412 : vector<16xi32> to vector<16x1xi32>
      %parallel_loop3A_414 = vector.shape_cast %parallel_loop3A_413 : vector<16x1xi32> to vector<16xi32>
      %parallel_loop3A_415 = tpu.dynamic_gather %get3A_5[%parallel_loop3A_414] in [0] : vector<16xf32>, vector<16xi32> -> vector<16xf32>
      %parallel_loop3A_416 = arith.constant 0 : i32
      %parallel_loop3A_417 = vector.broadcast %parallel_loop3A_416 : i32 to vector<16xi32>
      %parallel_loop3A_418 = arith.cmpi slt, %parallel_loop3A_402, %parallel_loop3A_417 : vector<16xi32>
      %parallel_loop3A_419 = arith.constant 16 : i32
      %parallel_loop3A_420 = vector.broadcast %parallel_loop3A_419 : i32 to vector<16xi32>
      %parallel_loop3A_421 = arith.addi %parallel_loop3A_402, %parallel_loop3A_420 : vector<16xi32>
      %parallel_loop3A_422 = arith.select %parallel_loop3A_418, %parallel_loop3A_421, %parallel_loop3A_402 : vector<16xi1>, vector<16xi32>
      %parallel_loop3A_423 = vector.shape_cast %parallel_loop3A_422 : vector<16xi32> to vector<16x1xi32>
      %parallel_loop3A_424 = vector.shape_cast %parallel_loop3A_423 : vector<16x1xi32> to vector<16xi32>
      %parallel_loop3A_425 = tpu.dynamic_gather %get3A_8[%parallel_loop3A_424] in [0] : vector<16xf32>, vector<16xi32> -> vector<16xf32>
      %parallel_loop3A_426 = arith.constant 1 : i32
      %parallel_loop3A_427 = vector.broadcast %parallel_loop3A_426 : i32 to vector<16xi32>
      %parallel_loop3A_428 = arith.cmpi eq, %parallel_loop3A_405, %parallel_loop3A_427 : vector<16xi32>
      %parallel_loop3A_429 = arith.select %parallel_loop3A_428, %parallel_loop3A_425, %parallel_loop3A_415 : vector<16xi1>, vector<16xf32>
      %parallel_loop3A_430 = arith.constant 0 : i32
      %parallel_loop3A_431 = vector.broadcast %parallel_loop3A_430 : i32 to vector<16xi32>
      %parallel_loop3A_432 = arith.cmpi slt, %parallel_loop3A_402, %parallel_loop3A_431 : vector<16xi32>
      %parallel_loop3A_433 = arith.constant 16 : i32
      %parallel_loop3A_434 = vector.broadcast %parallel_loop3A_433 : i32 to vector<16xi32>
      %parallel_loop3A_435 = arith.addi %parallel_loop3A_402, %parallel_loop3A_434 : vector<16xi32>
      %parallel_loop3A_436 = arith.select %parallel_loop3A_432, %parallel_loop3A_435, %parallel_loop3A_402 : vector<16xi1>, vector<16xi32>
      %parallel_loop3A_437 = vector.shape_cast %parallel_loop3A_436 : vector<16xi32> to vector<16x1xi32>
      %parallel_loop3A_438 = vector.shape_cast %parallel_loop3A_437 : vector<16x1xi32> to vector<16xi32>
      %parallel_loop3A_439 = tpu.dynamic_gather %get3A_11[%parallel_loop3A_438] in [0] : vector<16xf32>, vector<16xi32> -> vector<16xf32>
      %parallel_loop3A_440 = arith.constant 2 : i32
      %parallel_loop3A_441 = vector.broadcast %parallel_loop3A_440 : i32 to vector<16xi32>
      %parallel_loop3A_442 = arith.cmpi eq, %parallel_loop3A_405, %parallel_loop3A_441 : vector<16xi32>
      %parallel_loop3A_443 = arith.select %parallel_loop3A_442, %parallel_loop3A_439, %parallel_loop3A_429 : vector<16xi1>, vector<16xf32>
      %parallel_loop3A_444 = arith.constant 0 : i32
      %parallel_loop3A_445 = vector.broadcast %parallel_loop3A_444 : i32 to vector<16xi32>
      %parallel_loop3A_446 = arith.cmpi slt, %parallel_loop3A_402, %parallel_loop3A_445 : vector<16xi32>
      %parallel_loop3A_447 = arith.constant 16 : i32
      %parallel_loop3A_448 = vector.broadcast %parallel_loop3A_447 : i32 to vector<16xi32>
      %parallel_loop3A_449 = arith.addi %parallel_loop3A_402, %parallel_loop3A_448 : vector<16xi32>
      %parallel_loop3A_450 = arith.select %parallel_loop3A_446, %parallel_loop3A_449, %parallel_loop3A_402 : vector<16xi1>, vector<16xi32>
      %parallel_loop3A_451 = vector.shape_cast %parallel_loop3A_450 : vector<16xi32> to vector<16x1xi32>
      %parallel_loop3A_452 = vector.shape_cast %parallel_loop3A_451 : vector<16x1xi32> to vector<16xi32>
      %parallel_loop3A_453 = tpu.dynamic_gather %get3A_14[%parallel_loop3A_452] in [0] : vector<16xf32>, vector<16xi32> -> vector<16xf32>
      %parallel_loop3A_454 = arith.constant 3 : i32
      %parallel_loop3A_455 = vector.broadcast %parallel_loop3A_454 : i32 to vector<16xi32>
      %parallel_loop3A_456 = arith.cmpi eq, %parallel_loop3A_405, %parallel_loop3A_455 : vector<16xi32>
      %parallel_loop3A_457 = arith.select %parallel_loop3A_456, %parallel_loop3A_453, %parallel_loop3A_443 : vector<16xi1>, vector<16xf32>
      %parallel_loop3A_458 = arith.subf %parallel_loop3A_28#5, %parallel_loop3A_457 : vector<16xf32>
      %parallel_loop3A_459 = arith.constant 1.500000e+00 : f32
      %parallel_loop3A_460 = vector.broadcast %parallel_loop3A_459 : f32 to vector<16xf32>
      %parallel_loop3A_461 = arith.mulf %parallel_loop3A_458, %parallel_loop3A_460 : vector<16xf32>
      %parallel_loop3A_462 = arith.constant 5 : i32
      %parallel_loop3A_463 = arith.index_cast %parallel_loop3A_462 : i32 to index
      %parallel_loop3A_464 = arith.index_cast %parallel_loop3A_23 : i32 to index
      %parallel_loop3A_465 = tpu.vector_load %arg8[%parallel_loop3A_463, %parallel_loop3A_464] {strides = array<i32>} : memref<8x256xi32, #tpu.memory_space<vmem>>, vector<1x16xi32>,
      %parallel_loop3A_466 = vector.shape_cast %parallel_loop3A_465 : vector<1x16xi32> to vector<16xi32>
      %parallel_loop3A_467 = vector.shape_cast %parallel_loop3A_28#13 : vector<16xi32> to vector<1x16xi32>
      tpu.vector_store %arg8[%parallel_loop3A_463, %parallel_loop3A_464], %parallel_loop3A_467 {strides = array<i32>} : memref<8x256xi32, #tpu.memory_space<vmem>>, vector<1x16xi32>,
      %parallel_loop3A_468 = arith.constant 5 : i32
      %parallel_loop3A_469 = arith.index_cast %parallel_loop3A_468 : i32 to index
      %parallel_loop3A_470 = arith.index_cast %parallel_loop3A_23 : i32 to index
      %parallel_loop3A_471 = tpu.vector_load %arg9[%parallel_loop3A_469, %parallel_loop3A_470] {strides = array<i32>} : memref<8x256xf32, #tpu.memory_space<vmem>>, vector<1x16xf32>,
      %parallel_loop3A_472 = vector.shape_cast %parallel_loop3A_471 : vector<1x16xf32> to vector<16xf32>
      %parallel_loop3A_473 = vector.shape_cast %parallel_loop3A_461 : vector<16xf32> to vector<1x16xf32>
      tpu.vector_store %arg9[%parallel_loop3A_469, %parallel_loop3A_470], %parallel_loop3A_473 {strides = array<i32>} : memref<8x256xf32, #tpu.memory_space<vmem>>, vector<1x16xf32>,
      %parallel_loop3A_474 = arith.constant 15 : i32
      %parallel_loop3A_475 = vector.broadcast %parallel_loop3A_474 : i32 to vector<16xi32>
      %parallel_loop3A_476 = arith.andi %parallel_loop3A_28#14, %parallel_loop3A_475 : vector<16xi32>
      %parallel_loop3A_477 = arith.constant 4 : i32
      %parallel_loop3A_478 = vector.broadcast %parallel_loop3A_477 : i32 to vector<16xi32>
      %parallel_loop3A_479 = arith.shrsi %parallel_loop3A_28#14, %parallel_loop3A_478 : vector<16xi32>
      %parallel_loop3A_480 = arith.constant 0 : i32
      %parallel_loop3A_481 = vector.broadcast %parallel_loop3A_480 : i32 to vector<16xi32>
      %parallel_loop3A_482 = arith.cmpi slt, %parallel_loop3A_476, %parallel_loop3A_481 : vector<16xi32>
      %parallel_loop3A_483 = arith.constant 16 : i32
      %parallel_loop3A_484 = vector.broadcast %parallel_loop3A_483 : i32 to vector<16xi32>
      %parallel_loop3A_485 = arith.addi %parallel_loop3A_476, %parallel_loop3A_484 : vector<16xi32>
      %parallel_loop3A_486 = arith.select %parallel_loop3A_482, %parallel_loop3A_485, %parallel_loop3A_476 : vector<16xi1>, vector<16xi32>
      %parallel_loop3A_487 = vector.shape_cast %parallel_loop3A_486 : vector<16xi32> to vector<16x1xi32>
      %parallel_loop3A_488 = vector.shape_cast %parallel_loop3A_487 : vector<16x1xi32> to vector<16xi32>
      %parallel_loop3A_489 = tpu.dynamic_gather %get3A_5[%parallel_loop3A_488] in [0] : vector<16xf32>, vector<16xi32> -> vector<16xf32>
      %parallel_loop3A_490 = arith.constant 0 : i32
      %parallel_loop3A_491 = vector.broadcast %parallel_loop3A_490 : i32 to vector<16xi32>
      %parallel_loop3A_492 = arith.cmpi slt, %parallel_loop3A_476, %parallel_loop3A_491 : vector<16xi32>
      %parallel_loop3A_493 = arith.constant 16 : i32
      %parallel_loop3A_494 = vector.broadcast %parallel_loop3A_493 : i32 to vector<16xi32>
      %parallel_loop3A_495 = arith.addi %parallel_loop3A_476, %parallel_loop3A_494 : vector<16xi32>
      %parallel_loop3A_496 = arith.select %parallel_loop3A_492, %parallel_loop3A_495, %parallel_loop3A_476 : vector<16xi1>, vector<16xi32>
      %parallel_loop3A_497 = vector.shape_cast %parallel_loop3A_496 : vector<16xi32> to vector<16x1xi32>
      %parallel_loop3A_498 = vector.shape_cast %parallel_loop3A_497 : vector<16x1xi32> to vector<16xi32>
      %parallel_loop3A_499 = tpu.dynamic_gather %get3A_8[%parallel_loop3A_498] in [0] : vector<16xf32>, vector<16xi32> -> vector<16xf32>
      %parallel_loop3A_500 = arith.constant 1 : i32
      %parallel_loop3A_501 = vector.broadcast %parallel_loop3A_500 : i32 to vector<16xi32>
      %parallel_loop3A_502 = arith.cmpi eq, %parallel_loop3A_479, %parallel_loop3A_501 : vector<16xi32>
      %parallel_loop3A_503 = arith.select %parallel_loop3A_502, %parallel_loop3A_499, %parallel_loop3A_489 : vector<16xi1>, vector<16xf32>
      %parallel_loop3A_504 = arith.constant 0 : i32
      %parallel_loop3A_505 = vector.broadcast %parallel_loop3A_504 : i32 to vector<16xi32>
      %parallel_loop3A_506 = arith.cmpi slt, %parallel_loop3A_476, %parallel_loop3A_505 : vector<16xi32>
      %parallel_loop3A_507 = arith.constant 16 : i32
      %parallel_loop3A_508 = vector.broadcast %parallel_loop3A_507 : i32 to vector<16xi32>
      %parallel_loop3A_509 = arith.addi %parallel_loop3A_476, %parallel_loop3A_508 : vector<16xi32>
      %parallel_loop3A_510 = arith.select %parallel_loop3A_506, %parallel_loop3A_509, %parallel_loop3A_476 : vector<16xi1>, vector<16xi32>
      %parallel_loop3A_511 = vector.shape_cast %parallel_loop3A_510 : vector<16xi32> to vector<16x1xi32>
      %parallel_loop3A_512 = vector.shape_cast %parallel_loop3A_511 : vector<16x1xi32> to vector<16xi32>
      %parallel_loop3A_513 = tpu.dynamic_gather %get3A_11[%parallel_loop3A_512] in [0] : vector<16xf32>, vector<16xi32> -> vector<16xf32>
      %parallel_loop3A_514 = arith.constant 2 : i32
      %parallel_loop3A_515 = vector.broadcast %parallel_loop3A_514 : i32 to vector<16xi32>
      %parallel_loop3A_516 = arith.cmpi eq, %parallel_loop3A_479, %parallel_loop3A_515 : vector<16xi32>
      %parallel_loop3A_517 = arith.select %parallel_loop3A_516, %parallel_loop3A_513, %parallel_loop3A_503 : vector<16xi1>, vector<16xf32>
      %parallel_loop3A_518 = arith.constant 0 : i32
      %parallel_loop3A_519 = vector.broadcast %parallel_loop3A_518 : i32 to vector<16xi32>
      %parallel_loop3A_520 = arith.cmpi slt, %parallel_loop3A_476, %parallel_loop3A_519 : vector<16xi32>
      %parallel_loop3A_521 = arith.constant 16 : i32
      %parallel_loop3A_522 = vector.broadcast %parallel_loop3A_521 : i32 to vector<16xi32>
      %parallel_loop3A_523 = arith.addi %parallel_loop3A_476, %parallel_loop3A_522 : vector<16xi32>
      %parallel_loop3A_524 = arith.select %parallel_loop3A_520, %parallel_loop3A_523, %parallel_loop3A_476 : vector<16xi1>, vector<16xi32>
      %parallel_loop3A_525 = vector.shape_cast %parallel_loop3A_524 : vector<16xi32> to vector<16x1xi32>
      %parallel_loop3A_526 = vector.shape_cast %parallel_loop3A_525 : vector<16x1xi32> to vector<16xi32>
      %parallel_loop3A_527 = tpu.dynamic_gather %get3A_14[%parallel_loop3A_526] in [0] : vector<16xf32>, vector<16xi32> -> vector<16xf32>
      %parallel_loop3A_528 = arith.constant 3 : i32
      %parallel_loop3A_529 = vector.broadcast %parallel_loop3A_528 : i32 to vector<16xi32>
      %parallel_loop3A_530 = arith.cmpi eq, %parallel_loop3A_479, %parallel_loop3A_529 : vector<16xi32>
      %parallel_loop3A_531 = arith.select %parallel_loop3A_530, %parallel_loop3A_527, %parallel_loop3A_517 : vector<16xi1>, vector<16xf32>
      %parallel_loop3A_532 = arith.subf %parallel_loop3A_28#6, %parallel_loop3A_531 : vector<16xf32>
      %parallel_loop3A_533 = arith.constant 1.500000e+00 : f32
      %parallel_loop3A_534 = vector.broadcast %parallel_loop3A_533 : f32 to vector<16xf32>
      %parallel_loop3A_535 = arith.mulf %parallel_loop3A_532, %parallel_loop3A_534 : vector<16xf32>
      %parallel_loop3A_536 = arith.constant 6 : i32
      %parallel_loop3A_537 = arith.index_cast %parallel_loop3A_536 : i32 to index
      %parallel_loop3A_538 = arith.index_cast %parallel_loop3A_23 : i32 to index
      %parallel_loop3A_539 = tpu.vector_load %arg8[%parallel_loop3A_537, %parallel_loop3A_538] {strides = array<i32>} : memref<8x256xi32, #tpu.memory_space<vmem>>, vector<1x16xi32>,
      %parallel_loop3A_540 = vector.shape_cast %parallel_loop3A_539 : vector<1x16xi32> to vector<16xi32>
      %parallel_loop3A_541 = vector.shape_cast %parallel_loop3A_28#14 : vector<16xi32> to vector<1x16xi32>
      tpu.vector_store %arg8[%parallel_loop3A_537, %parallel_loop3A_538], %parallel_loop3A_541 {strides = array<i32>} : memref<8x256xi32, #tpu.memory_space<vmem>>, vector<1x16xi32>,
      %parallel_loop3A_542 = arith.constant 6 : i32
      %parallel_loop3A_543 = arith.index_cast %parallel_loop3A_542 : i32 to index
      %parallel_loop3A_544 = arith.index_cast %parallel_loop3A_23 : i32 to index
      %parallel_loop3A_545 = tpu.vector_load %arg9[%parallel_loop3A_543, %parallel_loop3A_544] {strides = array<i32>} : memref<8x256xf32, #tpu.memory_space<vmem>>, vector<1x16xf32>,
      %parallel_loop3A_546 = vector.shape_cast %parallel_loop3A_545 : vector<1x16xf32> to vector<16xf32>
      %parallel_loop3A_547 = vector.shape_cast %parallel_loop3A_535 : vector<16xf32> to vector<1x16xf32>
      tpu.vector_store %arg9[%parallel_loop3A_543, %parallel_loop3A_544], %parallel_loop3A_547 {strides = array<i32>} : memref<8x256xf32, #tpu.memory_space<vmem>>, vector<1x16xf32>,
      %parallel_loop3A_548 = arith.constant 15 : i32
      %parallel_loop3A_549 = vector.broadcast %parallel_loop3A_548 : i32 to vector<16xi32>
      %parallel_loop3A_550 = arith.andi %parallel_loop3A_28#15, %parallel_loop3A_549 : vector<16xi32>
      %parallel_loop3A_551 = arith.constant 4 : i32
      %parallel_loop3A_552 = vector.broadcast %parallel_loop3A_551 : i32 to vector<16xi32>
      %parallel_loop3A_553 = arith.shrsi %parallel_loop3A_28#15, %parallel_loop3A_552 : vector<16xi32>
      %parallel_loop3A_554 = arith.constant 0 : i32
      %parallel_loop3A_555 = vector.broadcast %parallel_loop3A_554 : i32 to vector<16xi32>
      %parallel_loop3A_556 = arith.cmpi slt, %parallel_loop3A_550, %parallel_loop3A_555 : vector<16xi32>
      %parallel_loop3A_557 = arith.constant 16 : i32
      %parallel_loop3A_558 = vector.broadcast %parallel_loop3A_557 : i32 to vector<16xi32>
      %parallel_loop3A_559 = arith.addi %parallel_loop3A_550, %parallel_loop3A_558 : vector<16xi32>
      %parallel_loop3A_560 = arith.select %parallel_loop3A_556, %parallel_loop3A_559, %parallel_loop3A_550 : vector<16xi1>, vector<16xi32>
      %parallel_loop3A_561 = vector.shape_cast %parallel_loop3A_560 : vector<16xi32> to vector<16x1xi32>
      %parallel_loop3A_562 = vector.shape_cast %parallel_loop3A_561 : vector<16x1xi32> to vector<16xi32>
      %parallel_loop3A_563 = tpu.dynamic_gather %get3A_5[%parallel_loop3A_562] in [0] : vector<16xf32>, vector<16xi32> -> vector<16xf32>
      %parallel_loop3A_564 = arith.constant 0 : i32
      %parallel_loop3A_565 = vector.broadcast %parallel_loop3A_564 : i32 to vector<16xi32>
      %parallel_loop3A_566 = arith.cmpi slt, %parallel_loop3A_550, %parallel_loop3A_565 : vector<16xi32>
      %parallel_loop3A_567 = arith.constant 16 : i32
      %parallel_loop3A_568 = vector.broadcast %parallel_loop3A_567 : i32 to vector<16xi32>
      %parallel_loop3A_569 = arith.addi %parallel_loop3A_550, %parallel_loop3A_568 : vector<16xi32>
      %parallel_loop3A_570 = arith.select %parallel_loop3A_566, %parallel_loop3A_569, %parallel_loop3A_550 : vector<16xi1>, vector<16xi32>
      %parallel_loop3A_571 = vector.shape_cast %parallel_loop3A_570 : vector<16xi32> to vector<16x1xi32>
      %parallel_loop3A_572 = vector.shape_cast %parallel_loop3A_571 : vector<16x1xi32> to vector<16xi32>
      %parallel_loop3A_573 = tpu.dynamic_gather %get3A_8[%parallel_loop3A_572] in [0] : vector<16xf32>, vector<16xi32> -> vector<16xf32>
      %parallel_loop3A_574 = arith.constant 1 : i32
      %parallel_loop3A_575 = vector.broadcast %parallel_loop3A_574 : i32 to vector<16xi32>
      %parallel_loop3A_576 = arith.cmpi eq, %parallel_loop3A_553, %parallel_loop3A_575 : vector<16xi32>
      %parallel_loop3A_577 = arith.select %parallel_loop3A_576, %parallel_loop3A_573, %parallel_loop3A_563 : vector<16xi1>, vector<16xf32>
      %parallel_loop3A_578 = arith.constant 0 : i32
      %parallel_loop3A_579 = vector.broadcast %parallel_loop3A_578 : i32 to vector<16xi32>
      %parallel_loop3A_580 = arith.cmpi slt, %parallel_loop3A_550, %parallel_loop3A_579 : vector<16xi32>
      %parallel_loop3A_581 = arith.constant 16 : i32
      %parallel_loop3A_582 = vector.broadcast %parallel_loop3A_581 : i32 to vector<16xi32>
      %parallel_loop3A_583 = arith.addi %parallel_loop3A_550, %parallel_loop3A_582 : vector<16xi32>
      %parallel_loop3A_584 = arith.select %parallel_loop3A_580, %parallel_loop3A_583, %parallel_loop3A_550 : vector<16xi1>, vector<16xi32>
      %parallel_loop3A_585 = vector.shape_cast %parallel_loop3A_584 : vector<16xi32> to vector<16x1xi32>
      %parallel_loop3A_586 = vector.shape_cast %parallel_loop3A_585 : vector<16x1xi32> to vector<16xi32>
      %parallel_loop3A_587 = tpu.dynamic_gather %get3A_11[%parallel_loop3A_586] in [0] : vector<16xf32>, vector<16xi32> -> vector<16xf32>
      %parallel_loop3A_588 = arith.constant 2 : i32
      %parallel_loop3A_589 = vector.broadcast %parallel_loop3A_588 : i32 to vector<16xi32>
      %parallel_loop3A_590 = arith.cmpi eq, %parallel_loop3A_553, %parallel_loop3A_589 : vector<16xi32>
      %parallel_loop3A_591 = arith.select %parallel_loop3A_590, %parallel_loop3A_587, %parallel_loop3A_577 : vector<16xi1>, vector<16xf32>
      %parallel_loop3A_592 = arith.constant 0 : i32
      %parallel_loop3A_593 = vector.broadcast %parallel_loop3A_592 : i32 to vector<16xi32>
      %parallel_loop3A_594 = arith.cmpi slt, %parallel_loop3A_550, %parallel_loop3A_593 : vector<16xi32>
      %parallel_loop3A_595 = arith.constant 16 : i32
      %parallel_loop3A_596 = vector.broadcast %parallel_loop3A_595 : i32 to vector<16xi32>
      %parallel_loop3A_597 = arith.addi %parallel_loop3A_550, %parallel_loop3A_596 : vector<16xi32>
      %parallel_loop3A_598 = arith.select %parallel_loop3A_594, %parallel_loop3A_597, %parallel_loop3A_550 : vector<16xi1>, vector<16xi32>
      %parallel_loop3A_599 = vector.shape_cast %parallel_loop3A_598 : vector<16xi32> to vector<16x1xi32>
      %parallel_loop3A_600 = vector.shape_cast %parallel_loop3A_599 : vector<16x1xi32> to vector<16xi32>
      %parallel_loop3A_601 = tpu.dynamic_gather %get3A_14[%parallel_loop3A_600] in [0] : vector<16xf32>, vector<16xi32> -> vector<16xf32>
      %parallel_loop3A_602 = arith.constant 3 : i32
      %parallel_loop3A_603 = vector.broadcast %parallel_loop3A_602 : i32 to vector<16xi32>
      %parallel_loop3A_604 = arith.cmpi eq, %parallel_loop3A_553, %parallel_loop3A_603 : vector<16xi32>
      %parallel_loop3A_605 = arith.select %parallel_loop3A_604, %parallel_loop3A_601, %parallel_loop3A_591 : vector<16xi1>, vector<16xf32>
      %parallel_loop3A_606 = arith.subf %parallel_loop3A_28#7, %parallel_loop3A_605 : vector<16xf32>
      %parallel_loop3A_607 = arith.constant 1.500000e+00 : f32
      %parallel_loop3A_608 = vector.broadcast %parallel_loop3A_607 : f32 to vector<16xf32>
      %parallel_loop3A_609 = arith.mulf %parallel_loop3A_606, %parallel_loop3A_608 : vector<16xf32>
      %parallel_loop3A_610 = arith.constant 7 : i32
      %parallel_loop3A_611 = arith.index_cast %parallel_loop3A_610 : i32 to index
      %parallel_loop3A_612 = arith.index_cast %parallel_loop3A_23 : i32 to index
      %parallel_loop3A_613 = tpu.vector_load %arg8[%parallel_loop3A_611, %parallel_loop3A_612] {strides = array<i32>} : memref<8x256xi32, #tpu.memory_space<vmem>>, vector<1x16xi32>,
      %parallel_loop3A_614 = vector.shape_cast %parallel_loop3A_613 : vector<1x16xi32> to vector<16xi32>
      %parallel_loop3A_615 = vector.shape_cast %parallel_loop3A_28#15 : vector<16xi32> to vector<1x16xi32>
      tpu.vector_store %arg8[%parallel_loop3A_611, %parallel_loop3A_612], %parallel_loop3A_615 {strides = array<i32>} : memref<8x256xi32, #tpu.memory_space<vmem>>, vector<1x16xi32>,
      %parallel_loop3A_616 = arith.constant 7 : i32
      %parallel_loop3A_617 = arith.index_cast %parallel_loop3A_616 : i32 to index
      %parallel_loop3A_618 = arith.index_cast %parallel_loop3A_23 : i32 to index
      %parallel_loop3A_619 = tpu.vector_load %arg9[%parallel_loop3A_617, %parallel_loop3A_618] {strides = array<i32>} : memref<8x256xf32, #tpu.memory_space<vmem>>, vector<1x16xf32>,
      %parallel_loop3A_620 = vector.shape_cast %parallel_loop3A_619 : vector<1x16xf32> to vector<16xf32>
      %parallel_loop3A_621 = vector.shape_cast %parallel_loop3A_609 : vector<16xf32> to vector<1x16xf32>
      tpu.vector_store %arg9[%parallel_loop3A_617, %parallel_loop3A_618], %parallel_loop3A_621 {strides = array<i32>} : memref<8x256xf32, #tpu.memory_space<vmem>>, vector<1x16xf32>,
    } {sc.loop_unroll_factor = 2 : i64, sc.parallel_access}
    %mul3A_17 = arith.constant 256 : i32
    %mul3A_18 = arith.muli %add3A, %mul3A_17 : i32
    "tpu.region"() ({
      %run_scoped3A = tpu.sem_alloc : memref<!tpu.dma_semaphore, #tpu.memory_space<semaphore_mem>>
      %dma_start3A = arith.constant 0 : i32
      %dma_start3A_21 = tpu.memref_slice %arg4[%dma_start3A, %mul3A_18] : memref<8x8192xi32, #tpu.memory_space<hbm>> -> memref<8x256xi32, #tpu.memory_space<hbm>>
      %dma_start3A_22 = arith.constant 0 : i32
      %dma_start3A_23 = tpu.memref_slice %arg4[%dma_start3A_22, %mul3A_18] : memref<8x8192xi32, #tpu.memory_space<hbm>> -> memref<8x256xi32, #tpu.memory_space<hbm>>
      tpu.enqueue_dma source(%arg8 : memref<8x256xi32, #tpu.memory_space<vmem>>) target(%dma_start3A_23 : memref<8x256xi32, #tpu.memory_space<hbm>>) target_semaphore(%run_scoped3A : memref<!tpu.dma_semaphore, #tpu.memory_space<semaphore_mem>>)
      %dma_wait3A = arith.constant 0 : i32
      %dma_wait3A_24 = tpu.memref_slice %arg4[%dma_wait3A, %mul3A_18] : memref<8x8192xi32, #tpu.memory_space<hbm>> -> memref<8x256xi32, #tpu.memory_space<hbm>>
      %dma_wait3A_25 = arith.constant 0 : i32
      %dma_wait3A_26 = tpu.memref_slice %arg4[%dma_wait3A_25, %mul3A_18] : memref<8x8192xi32, #tpu.memory_space<hbm>> -> memref<8x256xi32, #tpu.memory_space<hbm>>
      tpu.wait_dma2 semaphore(%run_scoped3A : memref<!tpu.dma_semaphore, #tpu.memory_space<semaphore_mem>>) src(%arg8 : memref<8x256xi32, #tpu.memory_space<vmem>>) dst(%dma_wait3A_26 : memref<8x256xi32, #tpu.memory_space<hbm>>)
      tpu.yield
    }) : () -> ()
    %mul3A_19 = arith.constant 256 : i32
    %mul3A_20 = arith.muli %add3A, %mul3A_19 : i32
    "tpu.region"() ({
      %run_scoped3A = tpu.sem_alloc : memref<!tpu.dma_semaphore, #tpu.memory_space<semaphore_mem>>
      %dma_start3A = arith.constant 0 : i32
      %dma_start3A_21 = tpu.memref_slice %arg5[%dma_start3A, %mul3A_20] : memref<8x8192xf32, #tpu.memory_space<hbm>> -> memref<8x256xf32, #tpu.memory_space<hbm>>
      %dma_start3A_22 = arith.constant 0 : i32
      %dma_start3A_23 = tpu.memref_slice %arg5[%dma_start3A_22, %mul3A_20] : memref<8x8192xf32, #tpu.memory_space<hbm>> -> memref<8x256xf32, #tpu.memory_space<hbm>>
      tpu.enqueue_dma source(%arg9 : memref<8x256xf32, #tpu.memory_space<vmem>>) target(%dma_start3A_23 : memref<8x256xf32, #tpu.memory_space<hbm>>) target_semaphore(%run_scoped3A : memref<!tpu.dma_semaphore, #tpu.memory_space<semaphore_mem>>)
      %dma_wait3A = arith.constant 0 : i32
      %dma_wait3A_24 = tpu.memref_slice %arg5[%dma_wait3A, %mul3A_20] : memref<8x8192xf32, #tpu.memory_space<hbm>> -> memref<8x256xf32, #tpu.memory_space<hbm>>
      %dma_wait3A_25 = arith.constant 0 : i32
      %dma_wait3A_26 = tpu.memref_slice %arg5[%dma_wait3A_25, %mul3A_20] : memref<8x8192xf32, #tpu.memory_space<hbm>> -> memref<8x256xf32, #tpu.memory_space<hbm>>
      tpu.wait_dma2 semaphore(%run_scoped3A : memref<!tpu.dma_semaphore, #tpu.memory_space<semaphore_mem>>) src(%arg9 : memref<8x256xf32, #tpu.memory_space<vmem>>) dst(%dma_wait3A_26 : memref<8x256xf32, #tpu.memory_space<hbm>>)
      tpu.yield
    }) : () -> ()
    return
  }
}

module attributes {stable_mosaic.version = 14 : i64} {
  func.func @_tc_body(%arg0: i32, %arg1: memref<1024x2048xf32, #tpu.memory_space<vmem>>, %arg2: memref<64x2048xf32, #tpu.memory_space<vmem>>, %arg3: memref<64x1xf32, #tpu.memory_space<vmem>>, %arg4: memref<4x64x256xf32, #tpu.memory_space<vmem>>) attributes {dimension_semantics = [#tpu.dimension_semantics<arbitrary>], iteration_bounds = array<i64: 8>, scalar_prefetch = 0 : i64, scratch_operands = 0 : i64, tpu.core_type = #tpu.core_type<tc>, window_params = [{transform_indices = @transform_0, window_bounds = array<i64: 1024, 2048>}, {pipeline_mode = #tpu.pipeline_mode<synchronous>, transform_indices = @transform_1, window_bounds = array<i64: 64, 2048>}, {pipeline_mode = #tpu.pipeline_mode<synchronous>, transform_indices = @transform_2, window_bounds = array<i64: 64, 1>}, {transform_indices = @transform_3, window_bounds = array<i64: 4, 64, 256>}]} {
    %get3A = arith.constant 0 : index
    %get3A_0 = arith.constant 0 : index
    %get3A_1 = vector.load %arg2[%get3A, %get3A_0] : memref<64x2048xf32, #tpu.memory_space<vmem>>, vector<64x2048xf32>
    %get3A_2 = arith.constant 0 : index
    %get3A_3 = arith.constant 0 : index
    %get3A_4 = vector.load %arg1[%get3A_2, %get3A_3] : memref<1024x2048xf32, #tpu.memory_space<vmem>>, vector<1024x2048xf32>
    %dot_general3A = arith.constant dense<0.000000e+00> : vector<64x1024xf32>
    %dot_general3A_5 = tpu.matmul %get3A_1, %get3A_4, %dot_general3A {dimension_numbers = #tpu.dot_dimension_numbers<[1], [1], [0], [0], [0, 0, 1, 0], [], []>, transpose_lhs_hint = false} : vector<64x2048xf32>, vector<1024x2048xf32>, vector<64x1024xf32> -> vector<64x1024xf32>
    %reduce_max3A = arith.constant dense<0xFF800000> : vector<1024xf32>
    %reduce_max3A_6 = vector.multi_reduction <maximumf>, %dot_general3A_5, %reduce_max3A [0] : vector<64x1024xf32> to vector<1024xf32>
    %broadcast_in_dim3A = vector.shape_cast %reduce_max3A_6 : vector<1024xf32> to vector<1x1024xf32>
    %sub3A = vector.broadcast %broadcast_in_dim3A : vector<1x1024xf32> to vector<64x1024xf32>
    %sub3A_7 = arith.subf %dot_general3A_5, %sub3A : vector<64x1024xf32>
    %exp3A = math.exp %sub3A_7 : vector<64x1024xf32>
    %reduce_sum3A = arith.constant dense<0.000000e+00> : vector<1024xf32>
    %reduce_sum3A_8 = vector.multi_reduction <add>, %exp3A, %reduce_sum3A [0] : vector<64x1024xf32> to vector<1024xf32>
    %broadcast_in_dim3A_9 = vector.shape_cast %reduce_sum3A_8 : vector<1024xf32> to vector<1x1024xf32>
    %div3A = vector.broadcast %broadcast_in_dim3A_9 : vector<1x1024xf32> to vector<64x1024xf32>
    %div3A_10 = arith.divf %exp3A, %div3A : vector<64x1024xf32>
    %get3A_11 = arith.constant 0 : index
    %get3A_12 = arith.constant 0 : index
    %get3A_13 = vector.load %arg3[%get3A_11, %get3A_12] : memref<64x1xf32, #tpu.memory_space<vmem>>, vector<64x1xf32>
    %add3A = vector.broadcast %get3A_13 : vector<64x1xf32> to vector<64x1024xf32>
    %add3A_14 = arith.addf %div3A_10, %add3A : vector<64x1024xf32>
    %slice3A = vector.extract_strided_slice %add3A_14 {offsets = [0, 0], sizes = [64, 256], strides = [1, 1]} : vector<64x1024xf32> to vector<64x256xf32>
    %swap3A = arith.constant 0 : index
    %swap3A_15 = arith.constant 0 : index
    %swap3A_16 = arith.constant 0 : index
    %swap3A_17 = vector.load %arg4[%swap3A, %swap3A_15, %swap3A_16] : memref<4x64x256xf32, #tpu.memory_space<vmem>>, vector<1x64x256xf32>
    %swap3A_18 = vector.shape_cast %swap3A_17 : vector<1x64x256xf32> to vector<64x256xf32>
    %swap3A_19 = vector.shape_cast %slice3A : vector<64x256xf32> to vector<1x64x256xf32>
    tpu.vector_store %arg4[%swap3A, %swap3A_15, %swap3A_16], %swap3A_19 {strides = array<i32>} : memref<4x64x256xf32, #tpu.memory_space<vmem>>, vector<1x64x256xf32>,
    %slice3A_20 = vector.extract_strided_slice %add3A_14 {offsets = [0, 256], sizes = [64, 256], strides = [1, 1]} : vector<64x1024xf32> to vector<64x256xf32>
    %swap3A_21 = arith.constant 1 : index
    %swap3A_22 = arith.constant 0 : index
    %swap3A_23 = arith.constant 0 : index
    %swap3A_24 = vector.load %arg4[%swap3A_21, %swap3A_22, %swap3A_23] : memref<4x64x256xf32, #tpu.memory_space<vmem>>, vector<1x64x256xf32>
    %swap3A_25 = vector.shape_cast %swap3A_24 : vector<1x64x256xf32> to vector<64x256xf32>
    %swap3A_26 = vector.shape_cast %slice3A_20 : vector<64x256xf32> to vector<1x64x256xf32>
    tpu.vector_store %arg4[%swap3A_21, %swap3A_22, %swap3A_23], %swap3A_26 {strides = array<i32>} : memref<4x64x256xf32, #tpu.memory_space<vmem>>, vector<1x64x256xf32>,
    %slice3A_27 = vector.extract_strided_slice %add3A_14 {offsets = [0, 512], sizes = [64, 256], strides = [1, 1]} : vector<64x1024xf32> to vector<64x256xf32>
    %swap3A_28 = arith.constant 2 : index
    %swap3A_29 = arith.constant 0 : index
    %swap3A_30 = arith.constant 0 : index
    %swap3A_31 = vector.load %arg4[%swap3A_28, %swap3A_29, %swap3A_30] : memref<4x64x256xf32, #tpu.memory_space<vmem>>, vector<1x64x256xf32>
    %swap3A_32 = vector.shape_cast %swap3A_31 : vector<1x64x256xf32> to vector<64x256xf32>
    %swap3A_33 = vector.shape_cast %slice3A_27 : vector<64x256xf32> to vector<1x64x256xf32>
    tpu.vector_store %arg4[%swap3A_28, %swap3A_29, %swap3A_30], %swap3A_33 {strides = array<i32>} : memref<4x64x256xf32, #tpu.memory_space<vmem>>, vector<1x64x256xf32>,
    %slice3A_34 = vector.extract_strided_slice %add3A_14 {offsets = [0, 768], sizes = [64, 256], strides = [1, 1]} : vector<64x1024xf32> to vector<64x256xf32>
    %swap3A_35 = arith.constant 3 : index
    %swap3A_36 = arith.constant 0 : index
    %swap3A_37 = arith.constant 0 : index
    %swap3A_38 = vector.load %arg4[%swap3A_35, %swap3A_36, %swap3A_37] : memref<4x64x256xf32, #tpu.memory_space<vmem>>, vector<1x64x256xf32>
    %swap3A_39 = vector.shape_cast %swap3A_38 : vector<1x64x256xf32> to vector<64x256xf32>
    %swap3A_40 = vector.shape_cast %slice3A_34 : vector<64x256xf32> to vector<1x64x256xf32>
    tpu.vector_store %arg4[%swap3A_35, %swap3A_36, %swap3A_37], %swap3A_40 {strides = array<i32>} : memref<4x64x256xf32, #tpu.memory_space<vmem>>, vector<1x64x256xf32>,
    return
  }
  func.func @transform_0(%arg0: i32) -> (i32, i32) {
    %c0_i32 = arith.constant 0 : i32
    %c0_i32_0 = arith.constant 0 : i32
    return %arg0, %c0_i32 : i32, i32
  }
  func.func @transform_1(%arg0: i32) -> (i32, i32) {
    %c0_i32 = arith.constant 0 : i32
    %c0_i32_0 = arith.constant 0 : i32
    %c0_i32_1 = arith.constant 0 : i32
    return %c0_i32, %c0_i32_0 : i32, i32
  }
  func.func @transform_2(%arg0: i32) -> (i32, i32) {
    %c0_i32 = arith.constant 0 : i32
    %c0_i32_0 = arith.constant 0 : i32
    %c0_i32_1 = arith.constant 0 : i32
    return %c0_i32, %c0_i32_0 : i32, i32
  }
  func.func @transform_3(%arg0: i32) -> (i32, i32, i32) {
    %c0_i32 = arith.constant 0 : i32
    %c0_i32_0 = arith.constant 0 : i32
    %c0_i32_1 = arith.constant 0 : i32
    return %arg0, %c0_i32, %c0_i32_0 : i32, i32, i32
  }
}

</mosaic_0001>

<sc_bundles>
// kernel: kernel.4.cloned.1.call-start
scs
__scs_entry_jumppad:
0x0: {  	(pc) =	sbr.rel $0x88, $3  }
0x1: {  	(tag) =	ssettag $0x0;
	lr =	simm.s32 $0x1  }
0x2: {  	[smem:$0x3F9E] =	sst lr;
	_ =	strace $0xD0000000  }
0x3: {  	_ = 	snop  }
0x4: {  	_ = 	snop  }
0x5: {  	_ = 	snop  }
0x6: {  	_ = 	snop  }
0x7: {  	_ = 	snop  }
__scs_overlays_trampoline_lowered:
0x8: {  	[smem:$0x3FAD] =	sst s0  }
0x9: {  	[smem:$0x3FAE] =	sst s1  }
0xa: {  	[smem:$0x3FAF] =	sst s2  }
0xb: {  	[smem:$0x3FB0] =	sst s3  }
0xc: {  	[smem:$0x3FB1] =	sst s4  }
0xd: {  	[smem:$0x3FB2] =	sst s5  }
0xe: {  	[smem:$0x3FB3] =	sst s6  }
0xf: {  	[smem:$0x3FB4] =	sst s7  }
0x10: {  	[smem:$0x3FB5] =	sst s8  }
0x11: {  	[smem:$0x3FB6] =	sst s9;
	s0 =	simm.s32 @!p0 $0x0  }
0x12: {  	s1 =	sld [smem:$0x3F9C];
	s0 =	simm.s32 @p0 $0x1  }
0x13: {  	[smem:$0x3FB7] =	sst s0;
	s0 =	simm.s32 @!p1 $0x0  }
0x14: {  	s2 =	sld [smem:$0x3F9B];
	s0 =	simm.s32 @p1 $0x1  }
0x15: {  	[smem:$0x3FB8] =	sst s0;
	s0 =	simm.s32 @!p2 $0x0  }
0x16: {  	s3 =	sld [smem:$0x3FDB];
	s0 =	simm.s32 @p2 $0x1  }
0x17: {  	s4 =	simm.s32 $0x1BF5;
	[smem:$0x3FBA] =	sst s0  }
0x18: {  	s0 =	sld [smem:$0x3F9D];
	_ =	swait.ge [sflag:s4], $0x0  }
0x19: {  	s7 =	sld [smem:$0x3F9E]  }
0x1a: {  	s8 =	sadd.s32 $0xFFFFE003, lr  }
0x1b: {  	s9 =	sadd.s32 $0xFFFFFEF7, lr;
	s5 =	simm.s32 $0xFFFFFFFF;
	p2 =	slt.u32 s8, $0xFFFFF086  }
0x1c: {  	p1 =	slt.u32 s9, $0xF7A;
	s5 =	simm.s32 @!p2 $0x0  }
0x1d: {  	s5 =	simm.s32 @p1 $0x1;
	p0 =	seq.s32 s7, s2  }
0x1e: {  	s7 =	smul.u32 @!p0 $0xF7A, s2;
	p2 =	seq.s32 @!p0 s5, $0x0  }
0x1f: {  	s9 =	smul.u32 $0xF7A, s1;
	s8 =	simm.s32 @!p0 $0x1BF5;
	p2 =	por !p2, p0  }
0x20: {  	[sflag:s8] =	ssyncset.s32 @!p0 $0xFFFFF086;
	s6 =	sadd.s32 @!p0 s3, s7;
	s7 =	simm.s32 @!p0 $0x108  }
0x21: {  	s3 =	sadd.s32 s3, s9;
	s6 =	sadd.s32 @!p0 $0x88, s6;
	s7 =	simm.s32 @p2 $0x1082  }
0x22: {  	[simem:s7], [sflag:s8] =	dma.local @!p0 [hbm:s6], $0xF7A  }
0x23: {  	s9 =	sor.u32 $0xD0000000, s2;
	s6 =	simm.s32 $0x108;
	_ =	swait.ge @!p0 [sflag:s8], $0x0  }
0x24: {  	s3 =	sadd.s32 $0x88, s3;
	s6 =	simm.s32 @!p1 $0x1082;
	[sflag:s4] =	ssyncset.s32 $0xFFFFF086  }
0x25: {  	[simem:s6], [sflag:s4] =	dma.local [hbm:s3], $0xF7A  }
0x26: {  	[smem:$0x3F9E] =	sst s1;
	(tag) =	ssettag s2;
	_ =	strace s9  }
0x27: {  	s1 =	sld [smem:$0x3FAE]  }
0x28: {  	s2 =	sld [smem:$0x3FAF]  }
0x29: {  	s4 =	sld [smem:$0x3FB1]  }
0x2a: {  	p0 =	seq.s32 s5, $0x0;
	s5 =	sld [smem:$0x3FB2]  }
0x2b: {  	s6 =	sld [smem:$0x3FB3]  }
0x2c: {  	s7 =	sld [smem:$0x3FB4]  }
0x2d: {  	s3 =	simm.s32 $0x108;
	s8 =	sld [smem:$0x3FB5]  }
0x2e: {  	s3 =	simm.s32 @!p0 $0x1082;
	s9 =	sld [smem:$0x3FB6]  }
0x2f: {  	lr =	sadd.s32 s0, s3;
	s0 =	sld [smem:$0x3FAD]  }
0x30: {  	s3 =	sld [smem:$0x3FB0]  }
0x31: {  	[smem:$0x3FB9] =	sst s10  }
0x32: {  	s10 =	sld [smem:$0x3FB7];
	_ =	sdelay $0x3  }
0x33: {  	p0 =	seq.s32 s10, $0x1;
	s10 =	sld [smem:$0x3FB9];
	_ =	sdelay $0x3  }
0x34: {  	[smem:$0x3FB9] =	sst s10  }
0x35: {  	s10 =	sld [smem:$0x3FB8];
	_ =	sdelay $0x3  }
0x36: {  	p1 =	seq.s32 s10, $0x1;
	s10 =	sld [smem:$0x3FB9];
	_ =	sdelay $0x3  }
0x37: {  	[smem:$0x3FB9] =	sst s10  }
0x38: {  	s10 =	sld [smem:$0x3FBA]  }
0x39: {  	_ = 	snop;
	(pc) =	sbr.ind lr, $3  }
0x3a: {  	_ = 	snop  }
0x3b: {  	_ = 	snop  }
0x3c: {  	p2 =	seq.s32 s10, $0x1;
	s10 =	sld [smem:$0x3FB9]  }
0x3d: {  	_ =	shalt  }
0x3e: {  	_ =	shalt  }
0x3f: {  	_ =	shalt  }
0x40: {  	_ =	shalt  }
0x41: {  	_ =	shalt  }
0x42: {  	_ =	shalt  }
0x43: {  	_ =	shalt  }
0x44: {  	_ =	shalt  }
0x45: {  	_ =	shalt  }
0x46: {  	_ =	shalt  }
0x47: {  	_ =	shalt  }
0x48: {  	_ =	shalt  }
0x49: {  	_ =	shalt  }
0x4a: {  	_ =	shalt  }
0x4b: {  	_ =	shalt  }
0x4c: {  	_ =	shalt  }
0x4d: {  	_ =	shalt  }
0x4e: {  	_ =	shalt  }
0x4f: {  	_ =	shalt  }
0x50: {  	_ =	shalt  }
0x51: {  	_ =	shalt  }
0x52: {  	_ =	shalt  }
0x53: {  	_ =	shalt  }
0x54: {  	_ =	shalt  }
0x55: {  	_ =	shalt  }
0x56: {  	_ =	shalt  }
0x57: {  	_ =	shalt  }
0x58: {  	_ =	shalt  }
0x59: {  	_ =	shalt  }
0x5a: {  	_ =	shalt  }
0x5b: {  	_ =	shalt  }
0x5c: {  	_ =	shalt  }
0x5d: {  	_ =	shalt  }
0x5e: {  	_ =	shalt  }
0x5f: {  	_ =	shalt  }
0x60: {  	_ =	shalt  }
0x61: {  	_ =	shalt  }
0x62: {  	_ =	shalt  }
0x63: {  	_ =	shalt  }
0x64: {  	_ =	shalt  }
0x65: {  	_ =	shalt  }
0x66: {  	_ =	shalt  }
0x67: {  	_ =	shalt  }
0x68: {  	_ =	shalt  }
0x69: {  	_ =	shalt  }
0x6a: {  	_ =	shalt  }
0x6b: {  	_ =	shalt  }
0x6c: {  	_ =	shalt  }
0x6d: {  	_ =	shalt  }
0x6e: {  	_ =	shalt  }
0x6f: {  	_ =	shalt  }
0x70: {  	_ =	shalt  }
0x71: {  	_ =	shalt  }
0x72: {  	_ =	shalt  }
0x73: {  	_ =	shalt  }
0x74: {  	_ =	shalt  }
0x75: {  	_ =	shalt  }
0x76: {  	_ =	shalt  }
0x77: {  	_ =	shalt  }
0x78: {  	_ =	shalt  }
0x79: {  	_ =	shalt  }
0x7a: {  	_ =	shalt  }
0x7b: {  	_ =	shalt  }
0x7c: {  	_ =	shalt  }
0x7d: {  	_ =	shalt  }
0x7e: {  	_ =	shalt  }
0x7f: {  	_ =	shalt  }
0x80: {  	_ =	shalt  }
0x81: {  	_ =	shalt  }
0x82: {  	_ =	shalt  }
0x83: {  	_ =	shalt  }
0x84: {  	_ =	shalt  }
0x85: {  	_ =	shalt  }
0x86: {  	_ =	shalt  }
0x87: {  	_ =	shalt  }
.Lfunc_end0:
.L_simem_size_0:
called_computation_lowered:
.L_overlay_start_0:
0x88: {  	s2 =	sld [smem:$0x3FD9]  }
0x89: {  	s3 =	sld [smem:$0x3FFE];
	_ =	sdelay $0x1  }
0x8a: {  	s1 =	srdreg.scid  }
0x8b: {  	s0 =	sand.u32 $0x1, s1  }
0x8c: {  	s14 =	sshll.u32 s0, $0xA;
	s2 =	sadd.s32 s3, s2  }
0x8d: {  	s2 =	sadd.s32 s2, s14  }
0x8e: {  	[smem:$0x3FC5] =	sst s2  }
0x8f: {  	_ = 	snop  }
0x90: {  	s2 =	sld [smem:$0x3FD0];
	_ =	sdelay $0x2  }
0x91: {  	s4 =	simm.s32 $0xA;
	s5 =	simm.s32 $0x10;
	s15 =	sld [smem:$0x3FC7]  }
0x92: {  	[smem:s5], [sflag:s4] =	dma.local [hbm:s2], $0x1  }
0x93: {  	_ =	swait.eq [sflag:s4], $0x1  }
0x94: {  	[sflag:s4] =	ssyncset.done $0x0  }
0x95: {  	s16 =	sld [smem:$0x10];
	[sflag:s4] =	ssyncadd.s32 $0xFFFFFFFF  }
0x96: {  	s17 =	sld [smem:$0x11];
	(tm) =	ssettm $0x1  }
0x97: {  	s18 =	sld [smem:$0x3FFB];
	_ =	sdelay $0x3  }
0x98: {  	_ =	strace s18  }
0x99: {  	s5 =	sld [smem:$0x3FFC];
	_ =	sdelay $0x3  }
0x9a: {  	_ =	strace s5  }
0x9b: {  	s5 =	sld [smem:$0x3FFD];
	_ =	sdelay $0x3  }
0x9c: {  	_ =	strace s5  }
0x9d: {  	_ =	strace $0x8FFFFFFF  }
0x9e: {  	s19 =	sld [smem:$0x3FDB];
	_ =	sdelay $0x1  }
0x9f: {  	s6 =	simm.s32 $_scs_section_size  }
0xa0: {  	s7 =	simm.s32 $_size__tile_overlayer_lowered;
	s8 =	simm.s32 $_tile_overlayer_lowered  }
0xa1: {  	s22 =	simm.s32 $0x1BFF;
	s21 =	sshll.u32 s8, $0x1;
	s5 =	sadd.s32 s6, s19  }
0xa2: {  	s9 =	simm.s32 $0x0;
	s20 =	sshll.u32 s7, $0x1;
	s7 =	sadd.s32 s21, s5  }
0xa3: {  	[timem:s9], [sflag:s22] =	dma.local [hbm:s7], s20  }
0xa4: {  	_ =	swait.ge [sflag:s22], s20  }
0xa5: {  	s6 =	ssub.s32 $0x0, s20;
	[sflag:s22] =	ssyncset.done $0x0  }
0xa6: {  	[sflag:s22] =	ssyncadd.s32 s6;
	_ =	sdelay $0x1  }
0xa7: {  	s23 =	simm.s32 $0x1B8B  }
0xa8: {  	_ =	swait.ge [sflag:s23], $0x1  }
0xa9: {  	[sflag:s23] =	ssyncset.done $0x0  }
0xaa: {  	s25 =	simm.s32 $0x1B8E;
	s24 =	sld [smem:$0x3FFE];
	[sflag:s23] =	ssyncadd.s32 $0xFFFFFFFF  }
0xab: {  	s26 =	simm.s32 $execute0_lowered;
	[smem:$0x3FD2] =	sst s25  }
0xac: {  	s7 =	sshll.u32 s26, $0x1;
	_ =	strace $0x80000046;
	[dreg:$0x1] =	wrdreg $0xFFFFFFFF  }
0xad: {  	s28 =	simm.s32 $_size_execute0_lowered;
	s5 =	sadd.s32 s5, s7;
	[dreg:$0x0] =	wrdreg $0x0  }
0xae: {  	s7 =	sshll.u32 s28, $0x1;
	[dreg:$0x2] =	wrdreg s5  }
0xaf: {  	[dreg:$0x3] =	wrdreg s7  }
0xb0: {  	[dreg:$0x4] =	wrdreg $0xC0  }
0xb1: {  	_ =	task [dreg:s9], $0x5FFFF  }
0xb2: {  	[dreg:$0x1] =	wrdreg $0xFFFFFFFF  }
0xb3: {  	[dreg:$0x0] =	wrdreg $0x60  }
0xb4: {  	[dreg:$0x2] =	wrdreg s24  }
0xb5: {  	[dreg:$0x3] =	wrdreg s15  }
0xb6: {  	[dreg:$0x4] =	wrdreg s16  }
0xb7: {  	[dreg:$0x5] =	wrdreg s17  }
0xb8: {  	[dreg:$0x6] =	wrdreg $0x9  }
0xb9: {  	_ =	task.clear_ibuf [dreg:s9], $0x7FFFF;
	_ =	strace $0x90000046  }
0xba: {  	s29 =	simm.s32 $0x9;
	_ =	strace $0x80000048  }
0xbb: {  	_ =	swait.ge [sflag:s29], $0x1  }
0xbc: {  	[sflag:s29] =	ssyncadd.s32 $0xFFFFFFFF  }
0xbd: {  	_ =	strace $0x90000048  }
0xbe: {  	_ =	sfence  }
0xbf: {  	s30 =	sld [smem:$0x0];
	_ =	sdelay $0x2  }
0xc0: {  	s31 =	sshll.u32 s1, $0xD;
	s1 =	sshrl.u32 s1, $0x2  }
0xc1: {  	s3 =	sand.u32 $0x4000, s31;
	s1 =	sadd.s32 s1, s30  }
0xc2: {  	s0 =	sor.u32 s3, s0;
	s1 =	sshll.u32 s1, $0x11  }
0xc3: {  	s0 =	sor.u32 s1, s0  }
0xc4: {  	s0 =	sadd.s32 $0x8F2B, s0  }
0xc5: {  	[sflag:s0] =	ssyncadd.remote.s32 $0x1  }
0xc6: {  	_ =	sfence.sel $0xFFFF  }
0xc7: {  	[dreg:$0x0] =	wrdreg $0xFFFFFFFF;
	(pc) =	sbr.abs _section_cstart, $3  }
0xc8: {  	[dreg:$0x1] =	wrdreg $0xFFFFFFFF  }
0xc9: {  	_ =	task.clear_ibuf [dreg:s9], $0x2FFFF;
	_ =	strace $0x9FFFFFFF  }
0xca: {  	(tm) =	ssettm $0x7FFFFFFF  }
0xcb: {  	_ =	shalt  }
tec
execute0_lowered:
.L_overlay_start_1:
0x0: {  	(tag) =	ssettag $0x1  }
0x1: {  	s4 =	rddreg [dreg:$0x0]  }
0x2: {  	s1 =	rddreg [dreg:$0x1]  }
0x3: {  	s5 =	rddreg [dreg:$0x2]  }
0x4: {  	s6 =	rddreg [dreg:$0x3]  }
0x5: {  	s0 =	rddreg [dreg:$0x4]  }
0x6: {  	s7 =	srdreg.scid;
	s2 =	stileid.u32  }
0x7: {  	s3 =	simm.s32 $0x0;
	s11 =	simm.s32 $0x4880;
	s12 =	simm.s32 $0x0  }
0x8: {  	s7 =	sand.u32 $0x1, s7;
	s8 =	sshll.u32 s2, $0x1;
	[smem:$0x7FF] =	sst s3  }
0x9: {  	s8 =	sor.u32 s7, s8;
	s7 =	ssub.s32 $0x2, s7;
	_ =	strace $0x80000047  }
0xa: {  	s9 =	sshll.u32 s8, $0xB;
	s10 =	sshrl.u32 s7, $0x1;
	s8 =	sshll.u32 s8, $0x8  }
0xb: {  	s4 =	sadd.s32 s9, s4;
	s7 =	ssub.s32 s7, s10;
	s5 =	sadd.s32 s5, s8  }
0xc: {  	s6 =	sadd.s32 s6, s8;
	s8 =	simm.s32 $0x1;
	s9 =	simm.s32 $0x4000  }
0xd: {  	s10 =	simm.s32 $0x4080;
	s4 =	sadd.s32 $0xC00, s4;
	s7 =	smax.u32 s7, $0x1  }
.LBB2_1:
0xe: {  	[tilespmem:s3], [sflag:$0x1] =	stream.linear.gather [hbm4b:s4+s3], $0x4000, $0x38;
	[tilespmem:$0x5080] =	vst v63  }
0xf: {  	_ =	swait.ge [sflag:s8], $0x4000  }
0x10: {  	[sflag:s8] =	ssyncset.done $0x0  }
0x11: {  	[sflag:s8] =	ssyncadd.s32 $0xFFFFC000  }
0x12: {  	[tilespmem:s9], [sflag:$0x1] =	stream.linear.gather [hbm4b:s1+s3], $0x80, $0x38;
	[tilespmem:$0x5080] =	vst v63  }
0x13: {  	_ =	swait.ge [sflag:s8], $0x80  }
0x14: {  	[sflag:s8] =	ssyncset.done $0x0  }
0x15: {  	[sflag:s8] =	ssyncadd.s32 $0xFFFFFF80  }
0x16: {  	v0 =	vld [tilespmem:$0x4000]  }
0x17: {  	v1 =	vld [tilespmem:$0x4010]  }
0x18: {  	v2 =	vld [tilespmem:$0x4020]  }
0x19: {  	s13 =	simm.s32 $0x0;
	v3 =	vld [tilespmem:$0x4030]  }
.LBB2_2:
0x1a: {  	s18 =	sshll.u32 s13, $0x4  }
0x1b: {  	s19 =	sand.u32 $0x60, s18  }
0x1c: {  	v4 =	vmov s19  }
0x1d: {  	s14 =	sshll.u32 s13, $0x7;
	s17 =	simm.s32 $0x0  }
0x1e: {  	s15 =	sand.u32 $0x400, s14;
	s16 =	sand.u32 $0x3800, s17  }
0x1f: {  	s20 =	sand.u32 $0x380, s17;
	s16 =	sor.u32 s16, s15  }
0x20: {  	s16 =	sadd.s32 s20, s16  }
0x21: {  	v6 =	vld.idx.msk [tilespmem:v4+s16+$0x0 ss:$0x1], $0xffff;
	_ =	sdelay $0x3  }
0x22: {  	v5 =	vimm.f32 $-Inf  }
0x23: {  	s30 =	simm.s32 $0x100;
	vm0 =	vgt.f32 v6, v5  }
0x24: {  	s31 =	sand.u32 $0x3800, s30;
	s16 =	simm.s32 $0x80;
	v8 =	vsel vm0, v5, v6  }
0x25: {  	v12 =	vimm.s32 $0x0;
	s20 =	sor.u32 s31, s15;
	s21 =	sand.u32 $0x380, s16;
	vm1 =	vgt.f32 v8, v5  }
0x26: {  	v20 =	vimm.f32 $-Inf;
	v22 =	vimm.s32 $0x0;
	s20 =	sadd.s32 s21, s20;
	v10 =	vsel vm1, v5, v8  }
0x27: {  	v21 =	vimm.s32 $0x0;
	v19 =	vimm.s32 $0x0;
	v13 =	vld.idx.msk [tilespmem:v4+s20+$0x0 ss:$0x1], $0xffff;
	vm4 =	vgt.f32 v10, v5  }
0x28: {  	v14 =	vnsel vm0, s17, v12;
	v9 =	vsel vm1, v8, v5;
	v8 =	vsel vm4, v5, v10  }
0x29: {  	v7 =	vsel vm0, v6, v5;
	v16 =	vsel vm1, v12, v14;
	vm3 =	vgt.f32 v8, v5  }
0x2a: {  	v6 =	vsel vm4, v10, v5;
	v11 =	vsel vm3, v8, v5;
	v8 =	vsel vm3, v5, v8  }
0x2b: {  	v10 =	vsel vm0, s17, v12;
	v17 =	vsel vm4, v12, v16;
	vm2 =	vgt.f32 v8, v5  }
0x2c: {  	vm0 =	vgt.f32 v13, v7;
	v24 =	vsel vm3, v12, v17;
	v18 =	vsel vm2, v5, v8  }
0x2d: {  	v15 =	vsel vm2, v8, v5;
	v8 =	vsel vm3, v17, v12;
	vm3 =	vgt.f32 v18, v5  }
0x2e: {  	v14 =	vsel vm1, v14, v12;
	v23 =	vsel vm0, v7, v13;
	v27 =	vsel vm3, v5, v18  }
0x2f: {  	v16 =	vsel vm4, v16, v12;
	vm1 =	vgt.f32 v23, v9;
	vm4 =	vgt.f32 v27, v5  }
0x30: {  	v25 =	vsel vm1, v9, v23;
	v26 =	vsel vm2, v12, v24;
	v29 =	vsel vm4, v5, v27  }
0x31: {  	s21 =	simm.s32 $0x200;
	s20 =	simm.s32 $0x2;
	s17 =	simm.s32 $0x1;
	v17 =	vsel vm3, v18, v5;
	v28 =	vsel vm3, v12, v26;
	v18 =	vmovc v10;
	vm5 =	vgt.f32 v29, v5  }
.LBB2_3:
0x32: {  	s22 =	sand.u32 $0x3800, s21  }
0x33: {  	p0 =	sne.s32 s20, $0x3F;
	s16 =	sadd.s32 $0x80, s16;
	v5 =	vsel vm4, v27, v5;
	v27 =	vsel vm4, v12, v28;
	v20 =	vsel vm5, v29, v20;
	s23 =	smov.u32 s20  }
0x34: {  	s20 =	sadd.s32 $0x1, s20;
	v22 =	vsel vm2, v24, v22;
	v12 =	vsel vm4, v28, v12;
	s24 =	sand.u32 $0x380, s16;
	s22 =	sor.u32 s22, s15;
	v21 =	vsel vm5, v27, v21  }
0x35: {  	v7 =	vsel vm0, v13, v7;
	vm4 =	vgt.f32 v25, v6;
	v19 =	vsel vm3, v26, v19;
	s22 =	sadd.s32 s24, s22  }
0x36: {  	v9 =	vsel vm1, v23, v9;
	v23 =	vsel vm4, v6, v25;
	v6 =	vsel vm4, v25, v6;
	v13 =	vld.idx.msk [tilespmem:v4+s22+$0x0 ss:$0x1], $0xffff  }
0x37: {  	v10 =	vsel vm0, s17, v10;
	vm3 =	vgt.f32 v23, v11  }
0x38: {  	v24 =	vnsel vm0, s17, v18;
	v18 =	vmovc v10;
	s17 =	smov.u32 s23;
	v25 =	vsel vm3, v11, v23;
	v11 =	vsel vm3, v23, v11  }
0x39: {  	v23 =	vsel vm1, v14, v24;
	v14 =	vsel vm1, v24, v14;
	vm2 =	vgt.f32 v25, v15  }
0x3a: {  	v26 =	vsel vm4, v16, v23;
	v28 =	vsel vm2, v15, v25;
	v15 =	vsel vm2, v25, v15  }
.Ltmp0:
0x3b: {  	v24 =	vsel vm3, v8, v26;
	v8 =	vsel vm3, v26, v8;
	vm3 =	vgt.f32 v28, v17;
	(pc) =	sbr.rel @p0 .LBB2_3-.Ltmp0, $4  }
0x3c: {  	v16 =	vsel vm4, v23, v16;
	v27 =	vsel vm3, v17, v28;
	vm0 =	vgt.f32 v13, v7  }
0x3d: {  	v17 =	vsel vm3, v28, v17;
	vm4 =	vgt.f32 v27, v5;
	v23 =	vsel vm0, v7, v13  }
0x3e: {  	v26 =	vsel vm2, v22, v24;
	v29 =	vsel vm4, v5, v27;
	vm1 =	vgt.f32 v23, v9  }
0x3f: {  	s21 =	sadd.s32 $0x100, s21;
	v28 =	vsel vm3, v19, v26;
	vm5 =	vgt.f32 v29, v20;
	v25 =	vsel vm1, v9, v23  }
0x40: {  	v4 =	vsel vm4, v27, v5;
	v5 =	vsel vm4, v12, v28;
	v20 =	vsel vm5, v29, v20  }
0x41: {  	v22 =	vsel vm2, v24, v22;
	v24 =	vsel vm4, v28, v12;
	vm2 =	vgt.f32 v25, v6  }
0x42: {  	v19 =	vsel vm3, v26, v19;
	v9 =	vsel vm1, v23, v9;
	v5 =	vsel vm5, v5, v21  }
0x43: {  	v21 =	vsel vm0, v13, v7;
	v7 =	vsel vm2, v6, v25;
	v23 =	vsel vm2, v25, v6  }
0x44: {  	v13 =	vsel vm0, s17, v10;
	v10 =	vnsel vm0, s17, v18;
	vm3 =	vgt.f32 v7, v11  }
0x45: {  	v12 =	vsel vm1, v10, v14;
	v10 =	vsel vm1, v14, v10;
	v6 =	vsel vm3, v11, v7  }
0x46: {  	v25 =	vshra.s32 v13, $0x4;
	v14 =	vsel vm2, v16, v10;
	vm4 =	vgt.f32 v6, v15  }
0x47: {  	v18 =	vsel vm3, v7, v11;
	v7 =	vsel vm3, v14, v8;
	v11 =	vsel vm4, v15, v6  }
0x48: {  	v15 =	vsel vm4, v6, v15;
	v6 =	vsel vm3, v8, v14;
	vm0 =	vgt.f32 v11, v17  }
0x49: {  	v8 =	vsel vm2, v10, v16;
	vm3 =	veq.s32 v25, $0x1;
	v14 =	vsel vm0, v17, v11  }
0x4a: {  	v16 =	vsel vm4, v22, v6;
	v17 =	vsel vm0, v11, v17;
	vm1 =	vgt.f32 v14, v4  }
0x4b: {  	v10 =	vsel vm1, v4, v14;
	v14 =	vsel vm1, v14, v4;
	v4 =	vand.u32 $0xF, v13  }
0x4c: {  	v11 =	vsel vm0, v19, v16;
	v26 =	vperm.xlane v0, v4;
	v27 =	vperm.xlane v1, v4  }
0x4d: {  	v28 =	vsel vm1, v24, v11;
	vm2 =	vgt.f32 v10, v20;
	v29 =	vperm.xlane v2, v4  }
0x4e: {  	v4 =	vperm.xlane v3, v4;
	v26 =	vsel vm3, v27, v26;
	vm3 =	veq.s32 v25, $0x2  }
0x4f: {  	v20 =	vsel vm2, v10, v20;
	v26 =	vsel vm3, v29, v26;
	vm3 =	veq.s32 v25, $0x3  }
0x50: {  	v10 =	vsel vm4, v6, v22;
	v6 =	vsel vm1, v11, v24;
	v4 =	vsel vm3, v4, v26  }
0x51: {  	v5 =	vsel vm2, v28, v5;
	v4 =	vsub.f32 v21, v4;
	v21 =	vand.u32 $0xF, v12  }
0x52: {  	v22 =	vshra.s32 v12, $0x4;
	v24 =	vperm.xlane v0, v21;
	v25 =	vperm.xlane v1, v21  }
0x53: {  	v11 =	vsel vm0, v16, v19;
	vm0 =	veq.s32 v22, $0x1;
	v16 =	vperm.xlane v2, v21  }
0x54: {  	v19 =	vmul.f32 $1.500000000e+00, v4;
	v4 =	vsel vm0, v25, v24;
	vm0 =	veq.s32 v22, $0x2  }
0x55: {  	v4 =	vsel vm0, v16, v4;
	v16 =	vperm.xlane v3, v21;
	v21 =	vand.u32 $0xF, v8  }
0x56: {  	v24 =	vshra.s32 v8, $0x4;
	v25 =	vperm.xlane v0, v21;
	v26 =	vperm.xlane v1, v21  }
0x57: {  	vm0 =	veq.s32 v22, $0x3;
	vm1 =	veq.s32 v24, $0x1;
	v22 =	vperm.xlane v2, v21  }
0x58: {  	v4 =	vsel vm0, v16, v4;
	vm0 =	veq.s32 v24, $0x2;
	v16 =	vsel vm1, v26, v25  }
0x59: {  	v4 =	vsub.f32 v9, v4;
	v9 =	vsel vm0, v22, v16;
	v16 =	vand.u32 $0xF, v7  }
0x5a: {  	v22 =	vshra.s32 v7, $0x4;
	v25 =	vperm.xlane v0, v16;
	v26 =	vperm.xlane v1, v16  }
0x5b: {  	v21 =	vperm.xlane v3, v21;
	vm0 =	veq.s32 v22, $0x1;
	v27 =	vperm.xlane v2, v16  }
0x5c: {  	v16 =	vperm.xlane v3, v16;
	v25 =	vsel vm0, v26, v25;
	vm0 =	veq.s32 v22, $0x2  }
0x5d: {  	vm1 =	veq.s32 v24, $0x3;
	v24 =	vsel vm0, v27, v25;
	vm0 =	veq.s32 v22, $0x3  }
0x5e: {  	v22 =	vmul.f32 $1.500000000e+00, v4;
	v4 =	vsel vm1, v21, v9;
	v9 =	vsel vm0, v16, v24  }
0x5f: {  	v4 =	vsub.f32 v23, v4;
	v16 =	vand.u32 $0xF, v10;
	v9 =	vsub.f32 v18, v9  }
0x60: {  	v18 =	vshra.s32 v10, $0x4;
	v21 =	vperm.xlane v0, v16;
	v23 =	vperm.xlane v1, v16  }
0x61: {  	v24 =	vmul.f32 $1.500000000e+00, v4;
	vm0 =	veq.s32 v18, $0x1;
	v4 =	vperm.xlane v2, v16  }
0x62: {  	v25 =	vmul.f32 $1.500000000e+00, v9;
	v9 =	vsel vm0, v23, v21;
	vm0 =	veq.s32 v18, $0x2  }
0x63: {  	v4 =	vsel vm0, v4, v9;
	v9 =	vperm.xlane v3, v16;
	v16 =	vand.u32 $0xF, v11  }
0x64: {  	v21 =	vshra.s32 v11, $0x4;
	vm0 =	veq.s32 v18, $0x3;
	v23 =	vperm.xlane v0, v16  }
0x65: {  	s16 =	sor.u32 $0x10, s18;
	vm1 =	veq.s32 v21, $0x1;
	v26 =	vperm.xlane v1, v16;
	v18 =	vperm.xlane v2, v16  }
0x66: {  	s17 =	sand.u32 $0x70, s16;
	v16 =	vperm.xlane v3, v16;
	v4 =	vsel vm0, v9, v4;
	vm0 =	veq.s32 v21, $0x2  }
0x67: {  	v9 =	vsel vm1, v26, v23;
	v15 =	vsub.f32 v15, v4;
	v4 =	vmov s17  }
0x68: {  	v9 =	vsel vm0, v18, v9;
	vm0 =	veq.s32 v21, $0x3;
	v18 =	vand.u32 $0xF, v6  }
0x69: {  	s21 =	simm.s32 $0x0;
	s30 =	sor.u32 s19, s15;
	v21 =	vshra.s32 v6, $0x4;
	v23 =	vperm.xlane v0, v18;
	v26 =	vperm.xlane v1, v18  }
0x6a: {  	s23 =	sor.u32 s18, s15;
	s20 =	sand.u32 $0x3800, s21;
	[tilespmem:s30+$0x4080] =	vst v13;
	v27 =	vmul.f32 $1.500000000e+00, v15;
	v9 =	vsel vm0, v16, v9;
	vm0 =	veq.s32 v21, $0x1  }
0x6b: {  	s22 =	sand.u32 $0x380, s21;
	s24 =	sor.u32 $0x80, s23;
	s20 =	sor.u32 s20, s15;
	[tilespmem:s30+$0x4880] =	vst v19;
	v16 =	vperm.xlane v2, v18;
	v15 =	vsub.f32 v17, v9;
	v17 =	vperm.xlane v3, v18  }
0x6c: {  	s20 =	sadd.s32 s22, s20;
	[tilespmem:s24+$0x4080] =	vst v12;
	v18 =	vand.u32 $0xF, v5;
	v9 =	vsel vm0, v26, v23;
	vm0 =	veq.s32 v21, $0x2  }
0x6d: {  	[tilespmem:s24+$0x4880] =	vst v22;
	v26 =	vshra.s32 v5, $0x4;
	v28 =	vperm.xlane v0, v18;
	v29 =	vperm.xlane v1, v18;
	v23 =	vld.idx.msk [tilespmem:v4+s20+$0x0 ss:$0x1], $0xffff  }
0x6e: {  	[tilespmem:s30+$0x4180] =	vst v8;
	v9 =	vsel vm0, v16, v9;
	vm0 =	veq.s32 v21, $0x3;
	vm1 =	veq.s32 v26, $0x1  }
0x6f: {  	s28 =	sor.u32 $0x180, s23;
	[tilespmem:s30+$0x4980] =	vst v24;
	v21 =	vperm.xlane v2, v18;
	v18 =	vperm.xlane v3, v18;
	v16 =	vsel vm0, v17, v9  }
0x70: {  	[tilespmem:s28+$0x4080] =	vst v7;
	v17 =	vsel vm1, v29, v28;
	vm0 =	veq.s32 v26, $0x2;
	v9 =	vimm.f32 $-Inf  }
0x71: {  	[tilespmem:s28+$0x4880] =	vst v25;
	v13 =	vsel vm0, v21, v17;
	vm0 =	veq.s32 v26, $0x3;
	v14 =	vsub.f32 v14, v16  }
0x72: {  	s31 =	simm.s32 $0x100;
	[tilespmem:s30+$0x4280] =	vst v10;
	v21 =	vmul.f32 $1.500000000e+00, v15;
	v13 =	vsel vm0, v18, v13;
	vm1 =	vgt.f32 v23, v9  }
0x73: {  	s25 =	sand.u32 $0x3800, s31;
	s29 =	sor.u32 $0x280, s23;
	[tilespmem:s30+$0x4A80] =	vst v27;
	s20 =	simm.s32 $0x80;
	v18 =	vsub.f32 v20, v13;
	v13 =	vimm.s32 $0x0;
	v16 =	vsel vm1, v9, v23  }
0x74: {  	s26 =	sor.u32 s25, s15;
	s24 =	sand.u32 $0x380, s20;
	v22 =	vmul.f32 $1.500000000e+00, v14;
	[tilespmem:s29+$0x4880] =	vst v21;
	v21 =	vimm.s32 $0x0;
	vm0 =	vgt.f32 v16, v9  }
0x75: {  	s30 =	sor.u32 s19, s14;
	v12 =	vsel vm1, s21, v13;
	v20 =	vnsel vm1, s21, v13;
	s21 =	sadd.s32 s24, s26;
	v19 =	vsel vm0, v9, v16  }
0x76: {  	[tilespmem:s29+$0x4080] =	vst v11;
	s19 =	sor.u32 $0x300, s30;
	v30 =	vmul.f32 $1.500000000e+00, v18;
	v14 =	vsel vm1, v23, v9;
	v17 =	vld.idx.msk [tilespmem:v4+s21+$0x0 ss:$0x1], $0xffff;
	vm4 =	vgt.f32 v19, v9  }
0x77: {  	[tilespmem:s19+$0x4880] =	vst v22;
	v22 =	vimm.s32 $0x0;
	v15 =	vsel vm0, v16, v9;
	v18 =	vsel vm4, v9, v19  }
0x78: {  	v8 =	vsel vm4, v19, v9;
	v19 =	vsel vm0, v13, v20;
	vm1 =	vgt.f32 v18, v9  }
0x79: {  	v10 =	vsel vm0, v20, v13;
	v20 =	vsel vm4, v13, v19;
	v16 =	vsel vm1, v9, v18  }
0x7a: {  	v11 =	vsel vm4, v19, v13;
	v19 =	vimm.f32 $-Inf;
	vm2 =	vgt.f32 v16, v9  }
0x7b: {  	v7 =	vsel vm1, v18, v9;
	vm0 =	vgt.f32 v17, v14;
	v25 =	vsel vm2, v9, v16  }
0x7c: {  	v24 =	vsel vm1, v13, v20;
	v23 =	vsel vm0, v14, v17;
	vm3 =	vgt.f32 v25, v9  }
0x7d: {  	s31 =	sor.u32 s14, s18;
	v18 =	vsel vm2, v16, v9;
	v16 =	vsel vm1, v20, v13;
	v27 =	vsel vm3, v9, v25  }
0x7e: {  	s18 =	sor.u32 $0x380, s31;
	[tilespmem:s19+$0x4080] =	vst v6;
	vm1 =	vgt.f32 v23, v15;
	v26 =	vsel vm2, v13, v24;
	vm4 =	vgt.f32 v27, v9  }
0x7f: {  	[tilespmem:s18+$0x4080] =	vst v5;
	v5 =	vmovc v12;
	v20 =	vimm.s32 $0x0;
	v6 =	vsel vm3, v25, v9;
	v29 =	vsel vm4, v9, v27  }
0x80: {  	s19 =	simm.s32 $0x2;
	s21 =	simm.s32 $0x200;
	[tilespmem:s18+$0x4880] =	vst v30;
	s18 =	simm.s32 $0x1;
	v25 =	vsel vm1, v15, v23;
	v28 =	vsel vm3, v13, v26;
	vm5 =	vgt.f32 v29, v9  }
.LBB2_5:
0x81: {  	s22 =	sand.u32 $0x3800, s21  }
0x82: {  	p0 =	sne.s32 s19, $0x3F;
	s20 =	sadd.s32 $0x80, s20;
	v9 =	vsel vm4, v27, v9;
	v27 =	vsel vm4, v13, v28;
	v19 =	vsel vm5, v29, v19;
	s23 =	smov.u32 s19  }
0x83: {  	s19 =	sadd.s32 $0x1, s19;
	v22 =	vsel vm2, v24, v22;
	v13 =	vsel vm4, v28, v13;
	s24 =	sand.u32 $0x380, s20;
	s22 =	sor.u32 s22, s15;
	v21 =	vsel vm5, v27, v21  }
0x84: {  	v14 =	vsel vm0, v17, v14;
	vm4 =	vgt.f32 v25, v8;
	v20 =	vsel vm3, v26, v20;
	s22 =	sadd.s32 s24, s22  }
0x85: {  	v15 =	vsel vm1, v23, v15;
	v23 =	vsel vm4, v8, v25;
	v8 =	vsel vm4, v25, v8;
	v17 =	vld.idx.msk [tilespmem:v4+s22+$0x0 ss:$0x1], $0xffff  }
0x86: {  	v12 =	vsel vm0, s18, v12;
	vm3 =	vgt.f32 v23, v7  }
0x87: {  	v24 =	vnsel vm0, s18, v5;
	v5 =	vmovc v12;
	s18 =	smov.u32 s23;
	v25 =	vsel vm3, v7, v23;
	v7 =	vsel vm3, v23, v7  }
0x88: {  	v23 =	vsel vm1, v10, v24;
	v10 =	vsel vm1, v24, v10;
	vm2 =	vgt.f32 v25, v18  }
0x89: {  	v26 =	vsel vm4, v11, v23;
	v28 =	vsel vm2, v18, v25;
	v18 =	vsel vm2, v25, v18  }
.Ltmp1:
0x8a: {  	v24 =	vsel vm3, v16, v26;
	v16 =	vsel vm3, v26, v16;
	vm3 =	vgt.f32 v28, v6;
	(pc) =	sbr.rel @p0 .LBB2_5-.Ltmp1, $4  }
0x8b: {  	v11 =	vsel vm4, v23, v11;
	v27 =	vsel vm3, v6, v28;
	vm0 =	vgt.f32 v17, v14  }
0x8c: {  	v6 =	vsel vm3, v28, v6;
	vm4 =	vgt.f32 v27, v9;
	v23 =	vsel vm0, v14, v17  }
0x8d: {  	v26 =	vsel vm2, v22, v24;
	v29 =	vsel vm4, v9, v27;
	vm1 =	vgt.f32 v23, v15  }
0x8e: {  	s21 =	sadd.s32 $0x100, s21;
	v28 =	vsel vm3, v20, v26;
	vm5 =	vgt.f32 v29, v19;
	v25 =	vsel vm1, v15, v23  }
0x8f: {  	v9 =	vsel vm4, v27, v9  }
0x90: {  	v32 =	vsel vm4, v13, v28;
	v22 =	vsel vm2, v24, v22;
	vm10 =	vgt.f32 v25, v8  }
0x91: {  	v4 =	vsel vm5, v29, v19;
	v33 =	vsel vm4, v28, v13;
	v14 =	vsel vm0, v17, v14  }
0x92: {  	v35 =	vsel vm3, v26, v20;
	v15 =	vsel vm1, v23, v15;
	v12 =	vsel vm0, s18, v12  }
0x93: {  	v5 =	vnsel vm0, s18, v5;
	v34 =	vsel vm10, v8, v25;
	v21 =	vsel vm5, v32, v21  }
0x94: {  	v37 =	vsel vm10, v25, v8;
	v23 =	vsel vm1, v5, v10;
	v5 =	vsel vm1, v10, v5  }
0x95: {  	v43 =	vand.u32 $0xF, v12;
	v44 =	vshra.s32 v12, $0x4;
	vm11 =	vgt.f32 v34, v7  }
0x96: {  	v10 =	vsel vm10, v11, v5;
	v11 =	vsel vm10, v5, v11;
	v45 =	vperm.xlane v0, v43  }
0x97: {  	v46 =	vperm.xlane v1, v43;
	vm15 =	veq.s32 v44, $0x1;
	v47 =	vperm.xlane v2, v43  }
0x98: {  	vm5 =	veq.s32 v44, $0x2;
	v49 =	vperm.xlane v3, v43;
	vm6 =	veq.s32 v44, $0x3  }
0x99: {  	v50 =	vand.u32 $0xF, v23;
	v51 =	vshra.s32 v23, $0x4;
	v36 =	vsel vm11, v7, v34  }
0x9a: {  	v38 =	vsel vm11, v34, v7;
	v24 =	vsel vm11, v10, v16;
	v10 =	vsel vm11, v16, v10  }
0x9b: {  	v52 =	vperm.xlane v0, v50;
	v53 =	vperm.xlane v1, v50;
	vm7 =	veq.s32 v51, $0x1  }
0x9c: {  	v54 =	vperm.xlane v2, v50;
	vm8 =	veq.s32 v51, $0x2;
	v56 =	vperm.xlane v3, v50  }
0x9d: {  	v57 =	vand.u32 $0xF, v11;
	v58 =	vshra.s32 v11, $0x4;
	vm9 =	veq.s32 v51, $0x3  }
0x9e: {  	vm12 =	vgt.f32 v36, v18;
	v27 =	vsel vm15, v46, v45;
	v59 =	vperm.xlane v0, v57  }
0x9f: {  	v60 =	vperm.xlane v1, v57;
	vm10 =	veq.s32 v58, $0x1;
	v61 =	vperm.xlane v2, v57  }
0xa0: {  	vm11 =	veq.s32 v58, $0x2;
	v28 =	vand.u32 $0xF, v24;
	v29 =	vshra.s32 v24, $0x4  }
0xa1: {  	v39 =	vsel vm12, v18, v36;
	v18 =	vsel vm12, v36, v18;
	v16 =	vsel vm12, v22, v10  }
0xa2: {  	v10 =	vsel vm12, v10, v22;
	v48 =	vsel vm5, v47, v27;
	v55 =	vsel vm7, v53, v52  }
0xa3: {  	vm12 =	veq.s32 v58, $0x3;
	v30 =	vperm.xlane v0, v28;
	v31 =	vperm.xlane v1, v28  }
0xa4: {  	v32 =	vperm.xlane v2, v28;
	v20 =	vperm.xlane v3, v28;
	vm15 =	veq.s32 v29, $0x3  }
0xa5: {  	vm13 =	vgt.f32 v39, v6;
	v17 =	vsel vm6, v49, v48;
	v26 =	vsel vm10, v60, v59  }
0xa6: {  	v34 =	vshra.s32 v10, $0x4;
	v40 =	vsel vm13, v6, v39;
	v19 =	vsel vm13, v39, v6  }
0xa7: {  	v41 =	vsel vm13, v35, v16;
	v16 =	vsel vm13, v16, v35;
	v14 =	vsub.f32 v14, v17  }
0xa8: {  	v17 =	vsel vm8, v54, v55;
	v62 =	vsel vm11, v61, v26;
	vm13 =	veq.s32 v29, $0x1  }
0xa9: {  	vm4 =	veq.s32 v34, $0x1;
	vm5 =	veq.s32 v34, $0x2;
	vm6 =	veq.s32 v34, $0x3  }
0xaa: {  	vm14 =	vgt.f32 v40, v9;
	v17 =	vsel vm9, v56, v17;
	v22 =	vsel vm13, v31, v30  }
0xab: {  	v5 =	vsel vm14, v9, v40;
	v9 =	vsel vm14, v40, v9;
	v42 =	vsel vm14, v33, v41  }
0xac: {  	v13 =	vsel vm14, v41, v33;
	v15 =	vsub.f32 v15, v17;
	v14 =	vmul.f32 $1.500000000e+00, v14  }
0xad: {  	vm14 =	veq.s32 v29, $0x2;
	v33 =	vand.u32 $0xF, v10;
	v40 =	vand.u32 $0xF, v16  }
0xae: {  	v41 =	vshra.s32 v16, $0x4;
	vm0 =	vgt.f32 v5, v4;
	v35 =	vperm.xlane v0, v33  }
0xaf: {  	v17 =	vsel vm14, v32, v22;
	v36 =	vperm.xlane v1, v33;
	v39 =	vperm.xlane v3, v33  }
0xb0: {  	v43 =	vperm.xlane v1, v40;
	vm7 =	veq.s32 v41, $0x1;
	v44 =	vperm.xlane v2, v40  }
0xb1: {  	vm8 =	veq.s32 v41, $0x2;
	vm9 =	veq.s32 v41, $0x3;
	v48 =	vand.u32 $0xF, v13  }
0xb2: {  	v49 =	vshra.s32 v13, $0x4;
	v6 =	vsel vm0, v42, v21;
	v21 =	vperm.xlane v3, v57  }
0xb3: {  	v15 =	vmul.f32 $1.500000000e+00, v15;
	v17 =	vsel vm15, v20, v17;
	v42 =	vperm.xlane v0, v40  }
0xb4: {  	v50 =	vperm.xlane v0, v48;
	v51 =	vperm.xlane v1, v48;
	vm10 =	veq.s32 v49, $0x1  }
0xb5: {  	v52 =	vperm.xlane v2, v48;
	vm11 =	veq.s32 v49, $0x2;
	v56 =	vperm.xlane v3, v48  }
0xb6: {  	s24 =	sor.u32 s15, s17;
	v7 =	vsub.f32 v38, v17;
	v38 =	vsel vm4, v36, v35;
	v57 =	vand.u32 $0xF, v6  }
0xb7: {  	s25 =	sor.u32 s16, s15;
	[tilespmem:s24+$0x4080] =	vst v12;
	v58 =	vshra.s32 v6, $0x4;
	v63 =	vsel vm12, v21, v62;
	v26 =	vsel vm7, v43, v42  }
0xb8: {  	s19 =	sor.u32 $0x80, s25;
	[tilespmem:s24+$0x4880] =	vst v14;
	v21 =	vperm.xlane v3, v40;
	v8 =	vsub.f32 v37, v63;
	v37 =	vperm.xlane v2, v33  }
0xb9: {  	[tilespmem:s19+$0x4080] =	vst v23;
	v53 =	vsel vm10, v51, v50;
	vm12 =	veq.s32 v49, $0x3;
	v59 =	vperm.xlane v0, v57  }
0xba: {  	[tilespmem:s19+$0x4880] =	vst v15;
	v60 =	vperm.xlane v1, v57;
	v8 =	vmul.f32 $1.500000000e+00, v8;
	v17 =	vsel vm5, v37, v38  }
0xbb: {  	vm13 =	veq.s32 v58, $0x1;
	v62 =	vperm.xlane v2, v57;
	[tilespmem:s24+$0x4180] =	vst v11;
	v17 =	vsel vm6, v39, v17  }
0xbc: {  	s26 =	sor.u32 $0x180, s25;
	v45 =	vsel vm8, v44, v26;
	v7 =	vmul.f32 $1.500000000e+00, v7;
	v46 =	vsub.f32 v18, v17;
	[tilespmem:s24+$0x4980] =	vst v8  }
0xbd: {  	vm14 =	veq.s32 v58, $0x2;
	v14 =	vperm.xlane v3, v57;
	v47 =	vsel vm9, v21, v45;
	[tilespmem:s26+$0x4080] =	vst v24  }
0xbe: {  	v15 =	vsel vm11, v52, v53;
	v17 =	vsub.f32 v19, v47;
	[tilespmem:s26+$0x4880] =	vst v7;
	v54 =	vmul.f32 $1.500000000e+00, v46  }
0xbf: {  	vm15 =	veq.s32 v58, $0x3;
	v61 =	vsel vm12, v56, v15;
	v63 =	vsel vm13, v60, v59;
	[tilespmem:s24+$0x4280] =	vst v10  }
0xc0: {  	s15 =	sor.u32 $0x280, s25;
	v8 =	vsel vm14, v62, v63;
	v7 =	vsub.f32 v9, v61;
	v55 =	vmul.f32 $1.500000000e+00, v17;
	[tilespmem:s24+$0x4A80] =	vst v54  }
0xc1: {  	s28 =	sor.u32 s17, s14;
	p0 =	slt.u32 s13, $0xE;
	v4 =	vsel vm0, v5, v4;
	v5 =	vsel vm15, v14, v8;
	[tilespmem:s15+$0x4080] =	vst v16  }
.Ltmp2:
0xc2: {  	s29 =	sor.u32 $0x300, s28;
	v4 =	vsub.f32 v4, v5;
	v7 =	vmul.f32 $1.500000000e+00, v7;
	[tilespmem:s15+$0x4880] =	vst v55;
	(pc) =	sbr.rel @p0 .LBB2_2-.Ltmp2, $4  }
0xc3: {  	s30 =	sor.u32 s16, s14;
	[tilespmem:s29+$0x4080] =	vst v13  }
0xc4: {  	s14 =	sor.u32 $0x380, s30;
	v4 =	vmul.f32 $1.500000000e+00, v4;
	[tilespmem:s29+$0x4880] =	vst v7  }
0xc5: {  	s31 =	sadd.s32 $0x2, s13;
	[tilespmem:s14+$0x4080] =	vst v6  }
0xc6: {  	s13 =	smov.u32 s31;
	[tilespmem:s14+$0x4880] =	vst v4  }
0xc7: {  	[hbm4b:s5+s3] =	stream.linear.scatter [tilespmem:s10], [sflag:$0x1], $0x800, $0x38;
	[tilespmem:$0x5080] =	vst v63  }
0xc8: {  	s12 =	sadd.s32 $0x1, s12;
	_ =	swait.ge [sflag:s8], $0x800  }
0xc9: {  	p0 =	sne.s32 s12, s7;
	[sflag:s8] =	ssyncset.done $0x0  }
.Ltmp3:
0xca: {  	[sflag:s8] =	ssyncadd.s32 $0xFFFFF800;
	(pc) =	sbr.rel @p0 .LBB2_1-.Ltmp3, $4  }
0xcb: {  	[hbm4b:s6+s3] =	stream.linear.scatter [tilespmem:s11], [sflag:$0x1], $0x800, $0x38;
	[tilespmem:$0x5080] =	vst v63  }
0xcc: {  	_ =	swait.ge [sflag:s8], $0x800  }
0xcd: {  	[sflag:s8] =	ssyncset.done $0x0  }
0xce: {  	[sflag:s8] =	ssyncadd.s32 $0xFFFFF800  }
0xcf: {  	_ =	sfence.sel $0x180000  }
0xd0: {  	[bflag:$0x0] =	sbarrier.arrive $0xFFFF  }
0xd1: {  	p0 =	sne.s32 s2, $0x0;
	_ =	strace $0x90000047  }
0xd2: {  	s0 =	sadd.s32 @!p0 $0x100000, s0;
	[bflag:$0x2] =	sbarrier.arrive $0xFFFF  }
0xd3: {  	[sflag:s0] =	ssyncadd.tile.s32 @!p0 $0x1;
	_ =	shalt  }
.Lfunc_end2:
_tile_overlayer_lowered:
.L_overlay_start_2:
0xd4: {  	(tag) =	ssettag $0x2  }
0xd5: {  	s0 =	rddreg [dreg:$0x0];
	s2 =	stileid.u32  }
0xd6: {  	s1 =	rddreg [dreg:$0x1];
	p0 =	sne.s32 s2, $0x0  }
0xd7: {  	s3 =	rddreg [dreg:$0x2];
	[bflag:$0x3] =	sbarrier.arrive $0xFFFF;
	s2 =	simm.s32 @!p0 $0x1C01  }
0xd8: {  	[timem:s3], [sflag:s2] =	dma.local @!p0 [hbm:s0], s1  }
0xd9: {  	s0 =	simm.s32 @!p0 $0x1  }
0xda: {  	_ =	swait.ge @!p0 [sflag:s0], s1  }
0xdb: {  	s1 =	ssub.s32 @!p0 $0x0, s1;
	[sflag:s0] =	ssyncset.done @!p0 $0x0  }
0xdc: {  	[sflag:s0] =	ssyncadd.s32 @!p0 s1  }
0xdd: {  	[bflag:$0x3] =	sbarrier.arrive $0xFFFF  }
0xde: {  	_ =	shalt  }

</sc_bundles>
